<compile_context>
chip_gen: v7x
topology: tpu7x:2x2x1
jax: 0.10.2.dev20260603
libtpu: 0.0.44.dev20260713+nightly
codegen_flags: <defaults>
</compile_context>

<pallas_src>
import functools

import jax
import jax.numpy as jnp
from jax import lax
from jax.experimental import pallas as pl
from jax.experimental.pallas import tpu as pltpu
from jax.experimental.pallas import tpu_sc as plsc

N = 10000
E = 320000
D = 128
H = 128
NROWS = 10240
NC = 2
NS = 16
NW = NC * NS
CHUNK = 128
C0 = 32
QS = 32
C1 = 128
E0 = NS * C0 * CHUNK
E1 = NS * C1 * CHUNK
EPAD = E0 + E1
NCROWS = EPAD // CHUNK
ROWS_PER_TILE = NROWS // NS
BLK = 1000


def _sc_aggregate(y, srcc, dstc):
    mesh = plsc.VectorSubcoreMesh(core_axis_name="c", subcore_axis_name="s")

    @functools.partial(
        pl.kernel,
        out_type=jax.ShapeDtypeStruct((NC, NROWS, H), jnp.float32),
        mesh=mesh,
        scratch_types=[
            pltpu.VMEM((QS, CHUNK), jnp.int32),
            pltpu.VMEM((QS, CHUNK), jnp.int32),
            pltpu.VMEM((2, CHUNK, H), jnp.float32),
            pltpu.VMEM_SHARED((NROWS, H), jnp.float32),
            pltpu.SemaphoreType.DMA,
            pltpu.SemaphoreType.DMA,
        ],
    )
    def body(y_hbm, src_hbm, dst_hbm, out_hbm,
             srci_v, dsti_v, rows_v, acc_sh, sem0, sem1):
        cid = lax.axis_index("c")
        sid = lax.axis_index("s")

        def zero_row(j, carry):
            for k in range(H // 16):
                rows_v[0, j, pl.ds(k * 16, 16)] = jnp.zeros((16,), jnp.float32)
            return carry
        lax.fori_loop(0, CHUNK, zero_row, 0)
        for r in range(ROWS_PER_TILE // CHUNK):
            pltpu.sync_copy(rows_v.at[0],
                            acc_sh.at[pl.ds(sid * ROWS_PER_TILE + r * CHUNK, CHUNK)])
        plsc.subcore_barrier()

        def issue(c, buf, sem):
            pltpu.async_copy(y_hbm.at[srci_v.at[c]], rows_v.at[buf], sem)

        def drain(c, buf, sem):
            pltpu.make_async_copy(y_hbm.at[srci_v.at[c]], rows_v.at[buf], sem).wait()
            pltpu.sync_copy(rows_v.at[buf], acc_sh.at[dsti_v.at[c]], add=True)

        base = jnp.where(cid == 0, sid * C0, NS * C0 + sid * C1)
        nq = jnp.where(cid == 0, C0 // QS, C1 // QS)

        def quarter_body(q, carry):
            row0 = base + q * QS
            pltpu.sync_copy(src_hbm.at[pl.ds(row0, QS)], srci_v)
            pltpu.sync_copy(dst_hbm.at[pl.ds(row0, QS)], dsti_v)
            issue(0, 0, sem0)

            def pair_body(i, c2):
                c = 2 * i
                issue(c + 1, 1, sem1)
                drain(c, 0, sem0)
                issue(c + 2, 0, sem0)
                drain(c + 1, 1, sem1)
                return c2
            lax.fori_loop(0, QS // 2 - 1, pair_body, 0)
            issue(QS - 1, 1, sem1)
            drain(QS - 2, 0, sem0)
            drain(QS - 1, 1, sem1)
            return carry
        lax.fori_loop(0, nq, quarter_body, 0)
        plsc.subcore_barrier()

        pltpu.sync_copy(
            acc_sh.at[pl.ds(sid * ROWS_PER_TILE, ROWS_PER_TILE)],
            out_hbm.at[cid, pl.ds(sid * ROWS_PER_TILE, ROWS_PER_TILE)],
        )

    return body(y, srcc, dstc)


def _pre_body(x_ref, t_ref, W1x_ref, w1t_ref, P1x_ref, p1t_ref, y_ref, xcP_ref):
    x = x_ref[...]
    t = t_ref[...]
    y_ref[...] = (jnp.dot(x, W1x_ref[...], preferred_element_type=jnp.float32)
                  + t * w1t_ref[...])
    xcP_ref[...] = (jnp.dot(x, P1x_ref[...], preferred_element_type=jnp.float32)
                    + t * p1t_ref[...])


def _pre(x, t2, W1x, w1t, P1x, p1t):
    full = lambda shape: pl.BlockSpec(shape, lambda i: (0,) * len(shape))
    return pl.pallas_call(
        _pre_body,
        grid=(N // BLK,),
        in_specs=[
            pl.BlockSpec((BLK, D), lambda i: (i, 0)),
            pl.BlockSpec((BLK, 1), lambda i: (i, 0)),
            full((D, H)), full((1, H)), full((D, H)), full((1, H)),
        ],
        out_specs=[pl.BlockSpec((BLK, H), lambda i: (i, 0)),
                   pl.BlockSpec((BLK, H), lambda i: (i, 0))],
        out_shape=[jax.ShapeDtypeStruct((N, H), jnp.float32),
                   jax.ShapeDtypeStruct((N, H), jnp.float32)],
    )(x, t2, W1x, w1t, P1x, p1t)


def _post_body(y_ref, xcP_ref, parts_ref, b1_ref, W2_ref, b2_ref,
               P1h_ref, bp1_ref, P2_ref, bp2_ref, P3_ref, bp3_ref, out_ref):
    h = y_ref[...] + parts_ref[0] + parts_ref[1] + b1_ref[...]
    h = jnp.maximum(h, 0.0)
    h = jnp.tanh(jnp.dot(h, W2_ref[...], preferred_element_type=jnp.float32) + b2_ref[...])
    h = jnp.maximum(h, 0.0)
    p = (jnp.dot(h, P1h_ref[...], preferred_element_type=jnp.float32)
         + xcP_ref[...] + bp1_ref[...])
    p = jnp.where(p >= 0, p, 0.2 * p)
    p = jnp.dot(p, P2_ref[...], preferred_element_type=jnp.float32) + bp2_ref[...]
    p = jnp.where(p >= 0, p, 0.2 * p)
    out_ref[...] = jnp.sum(p * P3_ref[...], axis=1, keepdims=True) + bp3_ref[...]


def _post(y, xcP, parts, b1, W2, b2, P1h, bp1, P2, bp2, P3r, bp3):
    full = lambda shape: pl.BlockSpec(shape, lambda i: (0,) * len(shape))
    return pl.pallas_call(
        _post_body,
        grid=(N // BLK,),
        in_specs=[
            pl.BlockSpec((BLK, H), lambda i: (i, 0)),
            pl.BlockSpec((BLK, H), lambda i: (i, 0)),
            pl.BlockSpec((NC, BLK, H), lambda i: (0, i, 0)),
            full((1, H)), full((H, H)), full((1, H)),
            full((H, H)), full((1, H)), full((H, H)), full((1, H)),
            full((1, H)), full((1, 1)),
        ],
        out_specs=pl.BlockSpec((BLK, 1), lambda i: (i, 0)),
        out_shape=jax.ShapeDtypeStruct((N, 1), jnp.float32),
    )(y, xcP, parts, b1, W2, b2, P1h, bp1, P2, bp2, P3r, bp3)


def kernel(x, t, z, edge_index, W1, b1, W2, b2, P1, bp1, P2, bp2, P3, bp3):
    t2 = t[:, None]
    y, xcP = _pre(x, t2, W1[:D], W1[D:D + 1], P1[H:H + D], P1[H + D:H + D + 1])

    src = edge_index[0]
    dst = edge_index[1]
    pad = EPAD - E
    srcc = jnp.concatenate([src, jnp.zeros((pad,), jnp.int32)]).reshape(NCROWS, CHUNK)
    junk = N + (jnp.arange(pad, dtype=jnp.int32) % (NROWS - N))
    dstc = jnp.concatenate([dst, junk]).reshape(NCROWS, CHUNK)

    parts = _sc_aggregate(y, srcc, dstc)

    p = _post(y, xcP, parts, b1[None, :], W2, b2[None, :],
              P1[:H], bp1[None, :], P2, bp2[None, :], P3.reshape(1, H), bp3[None, :])

    t_pred = jnp.zeros((N, 1), jnp.float32)
    return (t_pred, p)

# --- scband reference (transcript-rebuilt; emitter-appended) ---
"""Pipeline reference for scband-ginmodel-48704929137146 (READ-ONLY COPY).

The authoritative reference and input builder live on the scoring server;
editing this copy changes nothing except your own understanding.
"""

import jax, jax.numpy as jnp
import numpy as np

N = 10000
E = 320000
D = 128
H = 128
DIN = D + 1  # x concat t -> 129
COMB = H + DIN  # 257


def setup_inputs(seed: int = 0) -> dict:
    key = jax.random.key(seed)
    ks = jax.random.split(key, 16)
    x = jax.random.normal(ks[0], (N, D), dtype=jnp.float32)
    t = jax.random.normal(ks[1], (N,), dtype=jnp.float32)
    z = jax.random.normal(ks[2], (N,), dtype=jnp.float32)
    edge_index = jax.random.randint(ks[3], (2, E), 0, N, dtype=jnp.int32)
    s = 0.05
    W1 = jax.random.normal(ks[4], (DIN, H), dtype=jnp.float32) * s
    b1 = jnp.zeros((H,), dtype=jnp.float32)
    W2 = jax.random.normal(ks[5], (H, H), dtype=jnp.float32) * s
    b2 = jnp.zeros((H,), dtype=jnp.float32)
    P1 = jax.random.normal(ks[6], (COMB, H), dtype=jnp.float32) * s
    bp1 = jnp.zeros((H,), dtype=jnp.float32)
    P2 = jax.random.normal(ks[7], (H, H), dtype=jnp.float32) * s
    bp2 = jnp.zeros((H,), dtype=jnp.float32)
    P3 = jax.random.normal(ks[8], (H, 1), dtype=jnp.float32) * s
    bp3 = jnp.zeros((1,), dtype=jnp.float32)
    return {"x": x, "t": t, "z": z, "edge_index": edge_index,
            "W1": W1, "b1": b1, "W2": W2, "b2": b2,
            "P1": P1, "bp1": bp1, "P2": P2, "bp2": bp2,
            "P3": P3, "bp3": bp3}


def _leaky_relu(v):
    return jnp.where(v >= 0, v, 0.2 * v)


def reference(x, t, z, edge_index, W1, b1, W2, b2, P1, bp1, P2, bp2, P3, bp3):
    # x = cat([x, t.unsqueeze(1)], dim=-1)
    xc = jnp.concatenate([x, t[:, None]], axis=-1)  # [N, 129]
    # GINConv with eps=0: mlp((1+eps)*x + sum_{j in N(i)} x_j)
    src = edge_index[0]
    dst = edge_index[1]
    msgs = jnp.take(xc, src, axis=0)  # gather source node features [E, 129]
    agg = jax.ops.segment_sum(msgs, dst, num_segments=xc.shape[0])  # scatter-add [N, 129]
    h = xc + agg  # (1 + 0) * x + agg
    # mlp: Linear -> ReLU -> (Dropout p=0) -> Linear -> Tanh -> (Dropout p=0)
    h = jnp.maximum(h @ W1 + b1, 0.0)
    h = jnp.tanh(h @ W2 + b2)
    # F.relu after GIN
    h = jnp.maximum(h, 0.0)
    # concat and Predictor
    comb = jnp.concatenate([h, xc], axis=-1)  # [N, 257]
    p = _leaky_relu(comb @ P1 + bp1)
    p = _leaky_relu(p @ P2 + bp2)
    p = p @ P3 + bp3  # [N, 1]
    t_pred = jnp.zeros((x.shape[0], 1), dtype=jnp.float32)
    return (t_pred, p)

if __name__ == "__main__":
    import jax
    _d = setup_inputs()
    print(jax.jit(kernel)(*tuple(_d.values())))

</pallas_src>

<mosaic_0001>
#map = affine_map<(d0, d1) -> (0, 0)>
#map1 = affine_map<(d0, d1) -> (0, 0, 0)>
module attributes {stable_mosaic.version = 14 : i64} {
  func.func @body(%arg0: i32, %arg1: i32, %arg2: memref<10000x128xf32, #tpu.memory_space<hbm>>, %arg3: memref<2560x128xi32, #tpu.memory_space<hbm>>, %arg4: memref<2560x128xi32, #tpu.memory_space<hbm>>, %arg5: memref<2x10240x128xf32, #tpu.memory_space<hbm>>, %arg6: memref<32x128xi32, #tpu.memory_space<vmem>>, %arg7: memref<32x128xi32, #tpu.memory_space<vmem>>, %arg8: memref<2x128x128xf32, #tpu.memory_space<vmem>>, %arg9: memref<10240x128xf32, #tpu.memory_space<vmem_shared>>, %arg10: memref<!tpu.dma_semaphore, #tpu.memory_space<semaphore_mem>>, %arg11: memref<!tpu.dma_semaphore, #tpu.memory_space<semaphore_mem>>) attributes {dimension_semantics = [#tpu.dimension_semantics<core_parallel>, #tpu.dimension_semantics<subcore_parallel>], iteration_bounds = array<i64: 2, 16>, scalar_prefetch = 0 : i64, scratch_operands = 6 : i64, tpu.core_type = #tpu.core_type<sc_vector_subcore>, window_params = [{transform_indices = #map}, {transform_indices = #map}, {transform_indices = #map}, {transform_indices = #map1}]} {
    %scan3A = arith.constant 0 : i32
    %scan3A_0 = arith.constant 0 : i32
    %scan3A_1 = arith.constant 128 : i32
    %scan3A_2 = arith.addi %scan3A_0, %scan3A_1 : i32
    %scan3A_3 = arith.constant 1 : i32
    scf.for %scan3A_52 = %scan3A_0 to %scan3A_2 step %scan3A_3  : i32 {
      %broadcast_in_dim3A = arith.constant 0.000000e+00 : f32
      %broadcast_in_dim3A_53 = vector.broadcast %broadcast_in_dim3A : f32 to vector<16xf32>
      %swap3A = arith.constant 0 : i32
      %swap3A_54 = arith.index_cast %swap3A : i32 to index
      %swap3A_55 = arith.index_cast %scan3A_52 : i32 to index
      %swap3A_56 = arith.constant 0 : index
      %swap3A_57 = tpu.vector_load %arg8[%swap3A_54, %swap3A_55, %swap3A_56] {strides = array<i32>} : memref<2x128x128xf32, #tpu.memory_space<vmem>>, vector<1x1x16xf32>,
      %swap3A_58 = vector.shape_cast %swap3A_57 : vector<1x1x16xf32> to vector<16xf32>
      %swap3A_59 = vector.shape_cast %broadcast_in_dim3A_53 : vector<16xf32> to vector<1x1x16xf32>
      tpu.vector_store %arg8[%swap3A_54, %swap3A_55, %swap3A_56], %swap3A_59 {strides = array<i32>} : memref<2x128x128xf32, #tpu.memory_space<vmem>>, vector<1x1x16xf32>,
      %broadcast_in_dim3A_60 = arith.constant 0.000000e+00 : f32
      %broadcast_in_dim3A_61 = vector.broadcast %broadcast_in_dim3A_60 : f32 to vector<16xf32>
      %swap3A_62 = arith.constant 0 : i32
      %swap3A_63 = arith.index_cast %swap3A_62 : i32 to index
      %swap3A_64 = arith.index_cast %scan3A_52 : i32 to index
      %swap3A_65 = arith.constant 16 : index
      %swap3A_66 = tpu.vector_load %arg8[%swap3A_63, %swap3A_64, %swap3A_65] {strides = array<i32>} : memref<2x128x128xf32, #tpu.memory_space<vmem>>, vector<1x1x16xf32>,
      %swap3A_67 = vector.shape_cast %swap3A_66 : vector<1x1x16xf32> to vector<16xf32>
      %swap3A_68 = vector.shape_cast %broadcast_in_dim3A_61 : vector<16xf32> to vector<1x1x16xf32>
      tpu.vector_store %arg8[%swap3A_63, %swap3A_64, %swap3A_65], %swap3A_68 {strides = array<i32>} : memref<2x128x128xf32, #tpu.memory_space<vmem>>, vector<1x1x16xf32>,
      %broadcast_in_dim3A_69 = arith.constant 0.000000e+00 : f32
      %broadcast_in_dim3A_70 = vector.broadcast %broadcast_in_dim3A_69 : f32 to vector<16xf32>
      %swap3A_71 = arith.constant 0 : i32
      %swap3A_72 = arith.index_cast %swap3A_71 : i32 to index
      %swap3A_73 = arith.index_cast %scan3A_52 : i32 to index
      %swap3A_74 = arith.constant 32 : index
      %swap3A_75 = tpu.vector_load %arg8[%swap3A_72, %swap3A_73, %swap3A_74] {strides = array<i32>} : memref<2x128x128xf32, #tpu.memory_space<vmem>>, vector<1x1x16xf32>,
      %swap3A_76 = vector.shape_cast %swap3A_75 : vector<1x1x16xf32> to vector<16xf32>
      %swap3A_77 = vector.shape_cast %broadcast_in_dim3A_70 : vector<16xf32> to vector<1x1x16xf32>
      tpu.vector_store %arg8[%swap3A_72, %swap3A_73, %swap3A_74], %swap3A_77 {strides = array<i32>} : memref<2x128x128xf32, #tpu.memory_space<vmem>>, vector<1x1x16xf32>,
      %broadcast_in_dim3A_78 = arith.constant 0.000000e+00 : f32
      %broadcast_in_dim3A_79 = vector.broadcast %broadcast_in_dim3A_78 : f32 to vector<16xf32>
      %swap3A_80 = arith.constant 0 : i32
      %swap3A_81 = arith.index_cast %swap3A_80 : i32 to index
      %swap3A_82 = arith.index_cast %scan3A_52 : i32 to index
      %swap3A_83 = arith.constant 48 : index
      %swap3A_84 = tpu.vector_load %arg8[%swap3A_81, %swap3A_82, %swap3A_83] {strides = array<i32>} : memref<2x128x128xf32, #tpu.memory_space<vmem>>, vector<1x1x16xf32>,
      %swap3A_85 = vector.shape_cast %swap3A_84 : vector<1x1x16xf32> to vector<16xf32>
      %swap3A_86 = vector.shape_cast %broadcast_in_dim3A_79 : vector<16xf32> to vector<1x1x16xf32>
      tpu.vector_store %arg8[%swap3A_81, %swap3A_82, %swap3A_83], %swap3A_86 {strides = array<i32>} : memref<2x128x128xf32, #tpu.memory_space<vmem>>, vector<1x1x16xf32>,
      %broadcast_in_dim3A_87 = arith.constant 0.000000e+00 : f32
      %broadcast_in_dim3A_88 = vector.broadcast %broadcast_in_dim3A_87 : f32 to vector<16xf32>
      %swap3A_89 = arith.constant 0 : i32
      %swap3A_90 = arith.index_cast %swap3A_89 : i32 to index
      %swap3A_91 = arith.index_cast %scan3A_52 : i32 to index
      %swap3A_92 = arith.constant 64 : index
      %swap3A_93 = tpu.vector_load %arg8[%swap3A_90, %swap3A_91, %swap3A_92] {strides = array<i32>} : memref<2x128x128xf32, #tpu.memory_space<vmem>>, vector<1x1x16xf32>,
      %swap3A_94 = vector.shape_cast %swap3A_93 : vector<1x1x16xf32> to vector<16xf32>
      %swap3A_95 = vector.shape_cast %broadcast_in_dim3A_88 : vector<16xf32> to vector<1x1x16xf32>
      tpu.vector_store %arg8[%swap3A_90, %swap3A_91, %swap3A_92], %swap3A_95 {strides = array<i32>} : memref<2x128x128xf32, #tpu.memory_space<vmem>>, vector<1x1x16xf32>,
      %broadcast_in_dim3A_96 = arith.constant 0.000000e+00 : f32
      %broadcast_in_dim3A_97 = vector.broadcast %broadcast_in_dim3A_96 : f32 to vector<16xf32>
      %swap3A_98 = arith.constant 0 : i32
      %swap3A_99 = arith.index_cast %swap3A_98 : i32 to index
      %swap3A_100 = arith.index_cast %scan3A_52 : i32 to index
      %swap3A_101 = arith.constant 80 : index
      %swap3A_102 = tpu.vector_load %arg8[%swap3A_99, %swap3A_100, %swap3A_101] {strides = array<i32>} : memref<2x128x128xf32, #tpu.memory_space<vmem>>, vector<1x1x16xf32>,
      %swap3A_103 = vector.shape_cast %swap3A_102 : vector<1x1x16xf32> to vector<16xf32>
      %swap3A_104 = vector.shape_cast %broadcast_in_dim3A_97 : vector<16xf32> to vector<1x1x16xf32>
      tpu.vector_store %arg8[%swap3A_99, %swap3A_100, %swap3A_101], %swap3A_104 {strides = array<i32>} : memref<2x128x128xf32, #tpu.memory_space<vmem>>, vector<1x1x16xf32>,
      %broadcast_in_dim3A_105 = arith.constant 0.000000e+00 : f32
      %broadcast_in_dim3A_106 = vector.broadcast %broadcast_in_dim3A_105 : f32 to vector<16xf32>
      %swap3A_107 = arith.constant 0 : i32
      %swap3A_108 = arith.index_cast %swap3A_107 : i32 to index
      %swap3A_109 = arith.index_cast %scan3A_52 : i32 to index
      %swap3A_110 = arith.constant 96 : index
      %swap3A_111 = tpu.vector_load %arg8[%swap3A_108, %swap3A_109, %swap3A_110] {strides = array<i32>} : memref<2x128x128xf32, #tpu.memory_space<vmem>>, vector<1x1x16xf32>,
      %swap3A_112 = vector.shape_cast %swap3A_111 : vector<1x1x16xf32> to vector<16xf32>
      %swap3A_113 = vector.shape_cast %broadcast_in_dim3A_106 : vector<16xf32> to vector<1x1x16xf32>
      tpu.vector_store %arg8[%swap3A_108, %swap3A_109, %swap3A_110], %swap3A_113 {strides = array<i32>} : memref<2x128x128xf32, #tpu.memory_space<vmem>>, vector<1x1x16xf32>,
      %broadcast_in_dim3A_114 = arith.constant 0.000000e+00 : f32
      %broadcast_in_dim3A_115 = vector.broadcast %broadcast_in_dim3A_114 : f32 to vector<16xf32>
      %swap3A_116 = arith.constant 0 : i32
      %swap3A_117 = arith.index_cast %swap3A_116 : i32 to index
      %swap3A_118 = arith.index_cast %scan3A_52 : i32 to index
      %swap3A_119 = arith.constant 112 : index
      %swap3A_120 = tpu.vector_load %arg8[%swap3A_117, %swap3A_118, %swap3A_119] {strides = array<i32>} : memref<2x128x128xf32, #tpu.memory_space<vmem>>, vector<1x1x16xf32>,
      %swap3A_121 = vector.shape_cast %swap3A_120 : vector<1x1x16xf32> to vector<16xf32>
      %swap3A_122 = vector.shape_cast %broadcast_in_dim3A_115 : vector<16xf32> to vector<1x1x16xf32>
      tpu.vector_store %arg8[%swap3A_117, %swap3A_118, %swap3A_119], %swap3A_122 {strides = array<i32>} : memref<2x128x128xf32, #tpu.memory_space<vmem>>, vector<1x1x16xf32>,
    }
    %scan3A_4 = arith.constant 128 : i32
    %mul3A = arith.constant 640 : i32
    %mul3A_5 = arith.muli %arg1, %mul3A : i32
    %add3A = arith.constant 0 : i32
    %add3A_6 = arith.addi %mul3A_5, %add3A : i32
    %run_scoped3A = arith.constant 0 : i32
    "tpu.region"() ({
      %run_scoped3A_52 = tpu.sem_alloc : memref<!tpu.dma_semaphore, #tpu.memory_space<semaphore_mem>>
      %dma_start3A = arith.constant 0 : i32
      %dma_start3A_53 = arith.constant 0 : i32
      %dma_start3A_54 = tpu.memref_slice %arg8[%run_scoped3A, %dma_start3A, %dma_start3A_53] : memref<2x128x128xf32, #tpu.memory_space<vmem>> -> memref<1x128x128xf32, #tpu.memory_space<vmem>>
      %dma_start3A_55 = tpu.memref_squeeze %dma_start3A_54 : memref<1x128x128xf32, #tpu.memory_space<vmem>> -> memref<128x128xf32, #tpu.memory_space<vmem>>
      %dma_start3A_56 = arith.constant 0 : i32
      %dma_start3A_57 = tpu.memref_slice %arg9[%add3A_6, %dma_start3A_56] : memref<10240x128xf32, #tpu.memory_space<vmem_shared>> -> memref<128x128xf32, #tpu.memory_space<vmem_shared>>
      %dma_start3A_58 = arith.constant 0 : i32
      %dma_start3A_59 = tpu.memref_slice %arg9[%add3A_6, %dma_start3A_58] : memref<10240x128xf32, #tpu.memory_space<vmem_shared>> -> memref<128x128xf32, #tpu.memory_space<vmem_shared>>
      %dma_start3A_60 = arith.constant 0 : i32
      %dma_start3A_61 = arith.constant 0 : i32
      %dma_start3A_62 = tpu.memref_slice %arg8[%run_scoped3A, %dma_start3A_60, %dma_start3A_61] : memref<2x128x128xf32, #tpu.memory_space<vmem>> -> memref<1x128x128xf32, #tpu.memory_space<vmem>>
      %dma_start3A_63 = tpu.memref_squeeze %dma_start3A_62 : memref<1x128x128xf32, #tpu.memory_space<vmem>> -> memref<128x128xf32, #tpu.memory_space<vmem>>
      tpu.enqueue_dma source(%dma_start3A_63 : memref<128x128xf32, #tpu.memory_space<vmem>>) target(%dma_start3A_59 : memref<128x128xf32, #tpu.memory_space<vmem_shared>>) target_semaphore(%run_scoped3A_52 : memref<!tpu.dma_semaphore, #tpu.memory_space<semaphore_mem>>)
      %dma_wait3A = arith.constant 0 : i32
      %dma_wait3A_64 = arith.constant 0 : i32
      %dma_wait3A_65 = tpu.memref_slice %arg8[%run_scoped3A, %dma_wait3A, %dma_wait3A_64] : memref<2x128x128xf32, #tpu.memory_space<vmem>> -> memref<1x128x128xf32, #tpu.memory_space<vmem>>
      %dma_wait3A_66 = tpu.memref_squeeze %dma_wait3A_65 : memref<1x128x128xf32, #tpu.memory_space<vmem>> -> memref<128x128xf32, #tpu.memory_space<vmem>>
      %dma_wait3A_67 = arith.constant 0 : i32
      %dma_wait3A_68 = tpu.memref_slice %arg9[%add3A_6, %dma_wait3A_67] : memref<10240x128xf32, #tpu.memory_space<vmem_shared>> -> memref<128x128xf32, #tpu.memory_space<vmem_shared>>
      %dma_wait3A_69 = arith.constant 0 : i32
      %dma_wait3A_70 = tpu.memref_slice %arg9[%add3A_6, %dma_wait3A_69] : memref<10240x128xf32, #tpu.memory_space<vmem_shared>> -> memref<128x128xf32, #tpu.memory_space<vmem_shared>>
      %dma_wait3A_71 = arith.constant 0 : i32
      %dma_wait3A_72 = arith.constant 0 : i32
      %dma_wait3A_73 = tpu.memref_slice %arg8[%run_scoped3A, %dma_wait3A_71, %dma_wait3A_72] : memref<2x128x128xf32, #tpu.memory_space<vmem>> -> memref<1x128x128xf32, #tpu.memory_space<vmem>>
      %dma_wait3A_74 = tpu.memref_squeeze %dma_wait3A_73 : memref<1x128x128xf32, #tpu.memory_space<vmem>> -> memref<128x128xf32, #tpu.memory_space<vmem>>
      tpu.wait_dma2 semaphore(%run_scoped3A_52 : memref<!tpu.dma_semaphore, #tpu.memory_space<semaphore_mem>>) src(%dma_wait3A_74 : memref<128x128xf32, #tpu.memory_space<vmem>>) dst(%dma_wait3A_70 : memref<128x128xf32, #tpu.memory_space<vmem_shared>>)
      tpu.yield
    }) : () -> ()
    %mul3A_7 = arith.constant 640 : i32
    %mul3A_8 = arith.muli %arg1, %mul3A_7 : i32
    %add3A_9 = arith.constant 128 : i32
    %add3A_10 = arith.addi %mul3A_8, %add3A_9 : i32
    %run_scoped3A_11 = arith.constant 0 : i32
    "tpu.region"() ({
      %run_scoped3A_52 = tpu.sem_alloc : memref<!tpu.dma_semaphore, #tpu.memory_space<semaphore_mem>>
      %dma_start3A = arith.constant 0 : i32
      %dma_start3A_53 = arith.constant 0 : i32
      %dma_start3A_54 = tpu.memref_slice %arg8[%run_scoped3A_11, %dma_start3A, %dma_start3A_53] : memref<2x128x128xf32, #tpu.memory_space<vmem>> -> memref<1x128x128xf32, #tpu.memory_space<vmem>>
      %dma_start3A_55 = tpu.memref_squeeze %dma_start3A_54 : memref<1x128x128xf32, #tpu.memory_space<vmem>> -> memref<128x128xf32, #tpu.memory_space<vmem>>
      %dma_start3A_56 = arith.constant 0 : i32
      %dma_start3A_57 = tpu.memref_slice %arg9[%add3A_10, %dma_start3A_56] : memref<10240x128xf32, #tpu.memory_space<vmem_shared>> -> memref<128x128xf32, #tpu.memory_space<vmem_shared>>
      %dma_start3A_58 = arith.constant 0 : i32
      %dma_start3A_59 = tpu.memref_slice %arg9[%add3A_10, %dma_start3A_58] : memref<10240x128xf32, #tpu.memory_space<vmem_shared>> -> memref<128x128xf32, #tpu.memory_space<vmem_shared>>
      %dma_start3A_60 = arith.constant 0 : i32
      %dma_start3A_61 = arith.constant 0 : i32
      %dma_start3A_62 = tpu.memref_slice %arg8[%run_scoped3A_11, %dma_start3A_60, %dma_start3A_61] : memref<2x128x128xf32, #tpu.memory_space<vmem>> -> memref<1x128x128xf32, #tpu.memory_space<vmem>>
      %dma_start3A_63 = tpu.memref_squeeze %dma_start3A_62 : memref<1x128x128xf32, #tpu.memory_space<vmem>> -> memref<128x128xf32, #tpu.memory_space<vmem>>
      tpu.enqueue_dma source(%dma_start3A_63 : memref<128x128xf32, #tpu.memory_space<vmem>>) target(%dma_start3A_59 : memref<128x128xf32, #tpu.memory_space<vmem_shared>>) target_semaphore(%run_scoped3A_52 : memref<!tpu.dma_semaphore, #tpu.memory_space<semaphore_mem>>)
      %dma_wait3A = arith.constant 0 : i32
      %dma_wait3A_64 = arith.constant 0 : i32
      %dma_wait3A_65 = tpu.memref_slice %arg8[%run_scoped3A_11, %dma_wait3A, %dma_wait3A_64] : memref<2x128x128xf32, #tpu.memory_space<vmem>> -> memref<1x128x128xf32, #tpu.memory_space<vmem>>
      %dma_wait3A_66 = tpu.memref_squeeze %dma_wait3A_65 : memref<1x128x128xf32, #tpu.memory_space<vmem>> -> memref<128x128xf32, #tpu.memory_space<vmem>>
      %dma_wait3A_67 = arith.constant 0 : i32
      %dma_wait3A_68 = tpu.memref_slice %arg9[%add3A_10, %dma_wait3A_67] : memref<10240x128xf32, #tpu.memory_space<vmem_shared>> -> memref<128x128xf32, #tpu.memory_space<vmem_shared>>
      %dma_wait3A_69 = arith.constant 0 : i32
      %dma_wait3A_70 = tpu.memref_slice %arg9[%add3A_10, %dma_wait3A_69] : memref<10240x128xf32, #tpu.memory_space<vmem_shared>> -> memref<128x128xf32, #tpu.memory_space<vmem_shared>>
      %dma_wait3A_71 = arith.constant 0 : i32
      %dma_wait3A_72 = arith.constant 0 : i32
      %dma_wait3A_73 = tpu.memref_slice %arg8[%run_scoped3A_11, %dma_wait3A_71, %dma_wait3A_72] : memref<2x128x128xf32, #tpu.memory_space<vmem>> -> memref<1x128x128xf32, #tpu.memory_space<vmem>>
      %dma_wait3A_74 = tpu.memref_squeeze %dma_wait3A_73 : memref<1x128x128xf32, #tpu.memory_space<vmem>> -> memref<128x128xf32, #tpu.memory_space<vmem>>
      tpu.wait_dma2 semaphore(%run_scoped3A_52 : memref<!tpu.dma_semaphore, #tpu.memory_space<semaphore_mem>>) src(%dma_wait3A_74 : memref<128x128xf32, #tpu.memory_space<vmem>>) dst(%dma_wait3A_70 : memref<128x128xf32, #tpu.memory_space<vmem_shared>>)
      tpu.yield
    }) : () -> ()
    %mul3A_12 = arith.constant 640 : i32
    %mul3A_13 = arith.muli %arg1, %mul3A_12 : i32
    %add3A_14 = arith.constant 256 : i32
    %add3A_15 = arith.addi %mul3A_13, %add3A_14 : i32
    %run_scoped3A_16 = arith.constant 0 : i32
    "tpu.region"() ({
      %run_scoped3A_52 = tpu.sem_alloc : memref<!tpu.dma_semaphore, #tpu.memory_space<semaphore_mem>>
      %dma_start3A = arith.constant 0 : i32
      %dma_start3A_53 = arith.constant 0 : i32
      %dma_start3A_54 = tpu.memref_slice %arg8[%run_scoped3A_16, %dma_start3A, %dma_start3A_53] : memref<2x128x128xf32, #tpu.memory_space<vmem>> -> memref<1x128x128xf32, #tpu.memory_space<vmem>>
      %dma_start3A_55 = tpu.memref_squeeze %dma_start3A_54 : memref<1x128x128xf32, #tpu.memory_space<vmem>> -> memref<128x128xf32, #tpu.memory_space<vmem>>
      %dma_start3A_56 = arith.constant 0 : i32
      %dma_start3A_57 = tpu.memref_slice %arg9[%add3A_15, %dma_start3A_56] : memref<10240x128xf32, #tpu.memory_space<vmem_shared>> -> memref<128x128xf32, #tpu.memory_space<vmem_shared>>
      %dma_start3A_58 = arith.constant 0 : i32
      %dma_start3A_59 = tpu.memref_slice %arg9[%add3A_15, %dma_start3A_58] : memref<10240x128xf32, #tpu.memory_space<vmem_shared>> -> memref<128x128xf32, #tpu.memory_space<vmem_shared>>
      %dma_start3A_60 = arith.constant 0 : i32
      %dma_start3A_61 = arith.constant 0 : i32
      %dma_start3A_62 = tpu.memref_slice %arg8[%run_scoped3A_16, %dma_start3A_60, %dma_start3A_61] : memref<2x128x128xf32, #tpu.memory_space<vmem>> -> memref<1x128x128xf32, #tpu.memory_space<vmem>>
      %dma_start3A_63 = tpu.memref_squeeze %dma_start3A_62 : memref<1x128x128xf32, #tpu.memory_space<vmem>> -> memref<128x128xf32, #tpu.memory_space<vmem>>
      tpu.enqueue_dma source(%dma_start3A_63 : memref<128x128xf32, #tpu.memory_space<vmem>>) target(%dma_start3A_59 : memref<128x128xf32, #tpu.memory_space<vmem_shared>>) target_semaphore(%run_scoped3A_52 : memref<!tpu.dma_semaphore, #tpu.memory_space<semaphore_mem>>)
      %dma_wait3A = arith.constant 0 : i32
      %dma_wait3A_64 = arith.constant 0 : i32
      %dma_wait3A_65 = tpu.memref_slice %arg8[%run_scoped3A_16, %dma_wait3A, %dma_wait3A_64] : memref<2x128x128xf32, #tpu.memory_space<vmem>> -> memref<1x128x128xf32, #tpu.memory_space<vmem>>
      %dma_wait3A_66 = tpu.memref_squeeze %dma_wait3A_65 : memref<1x128x128xf32, #tpu.memory_space<vmem>> -> memref<128x128xf32, #tpu.memory_space<vmem>>
      %dma_wait3A_67 = arith.constant 0 : i32
      %dma_wait3A_68 = tpu.memref_slice %arg9[%add3A_15, %dma_wait3A_67] : memref<10240x128xf32, #tpu.memory_space<vmem_shared>> -> memref<128x128xf32, #tpu.memory_space<vmem_shared>>
      %dma_wait3A_69 = arith.constant 0 : i32
      %dma_wait3A_70 = tpu.memref_slice %arg9[%add3A_15, %dma_wait3A_69] : memref<10240x128xf32, #tpu.memory_space<vmem_shared>> -> memref<128x128xf32, #tpu.memory_space<vmem_shared>>
      %dma_wait3A_71 = arith.constant 0 : i32
      %dma_wait3A_72 = arith.constant 0 : i32
      %dma_wait3A_73 = tpu.memref_slice %arg8[%run_scoped3A_16, %dma_wait3A_71, %dma_wait3A_72] : memref<2x128x128xf32, #tpu.memory_space<vmem>> -> memref<1x128x128xf32, #tpu.memory_space<vmem>>
      %dma_wait3A_74 = tpu.memref_squeeze %dma_wait3A_73 : memref<1x128x128xf32, #tpu.memory_space<vmem>> -> memref<128x128xf32, #tpu.memory_space<vmem>>
      tpu.wait_dma2 semaphore(%run_scoped3A_52 : memref<!tpu.dma_semaphore, #tpu.memory_space<semaphore_mem>>) src(%dma_wait3A_74 : memref<128x128xf32, #tpu.memory_space<vmem>>) dst(%dma_wait3A_70 : memref<128x128xf32, #tpu.memory_space<vmem_shared>>)
      tpu.yield
    }) : () -> ()
    %mul3A_17 = arith.constant 640 : i32
    %mul3A_18 = arith.muli %arg1, %mul3A_17 : i32
    %add3A_19 = arith.constant 384 : i32
    %add3A_20 = arith.addi %mul3A_18, %add3A_19 : i32
    %run_scoped3A_21 = arith.constant 0 : i32
    "tpu.region"() ({
      %run_scoped3A_52 = tpu.sem_alloc : memref<!tpu.dma_semaphore, #tpu.memory_space<semaphore_mem>>
      %dma_start3A = arith.constant 0 : i32
      %dma_start3A_53 = arith.constant 0 : i32
      %dma_start3A_54 = tpu.memref_slice %arg8[%run_scoped3A_21, %dma_start3A, %dma_start3A_53] : memref<2x128x128xf32, #tpu.memory_space<vmem>> -> memref<1x128x128xf32, #tpu.memory_space<vmem>>
      %dma_start3A_55 = tpu.memref_squeeze %dma_start3A_54 : memref<1x128x128xf32, #tpu.memory_space<vmem>> -> memref<128x128xf32, #tpu.memory_space<vmem>>
      %dma_start3A_56 = arith.constant 0 : i32
      %dma_start3A_57 = tpu.memref_slice %arg9[%add3A_20, %dma_start3A_56] : memref<10240x128xf32, #tpu.memory_space<vmem_shared>> -> memref<128x128xf32, #tpu.memory_space<vmem_shared>>
      %dma_start3A_58 = arith.constant 0 : i32
      %dma_start3A_59 = tpu.memref_slice %arg9[%add3A_20, %dma_start3A_58] : memref<10240x128xf32, #tpu.memory_space<vmem_shared>> -> memref<128x128xf32, #tpu.memory_space<vmem_shared>>
      %dma_start3A_60 = arith.constant 0 : i32
      %dma_start3A_61 = arith.constant 0 : i32
      %dma_start3A_62 = tpu.memref_slice %arg8[%run_scoped3A_21, %dma_start3A_60, %dma_start3A_61] : memref<2x128x128xf32, #tpu.memory_space<vmem>> -> memref<1x128x128xf32, #tpu.memory_space<vmem>>
      %dma_start3A_63 = tpu.memref_squeeze %dma_start3A_62 : memref<1x128x128xf32, #tpu.memory_space<vmem>> -> memref<128x128xf32, #tpu.memory_space<vmem>>
      tpu.enqueue_dma source(%dma_start3A_63 : memref<128x128xf32, #tpu.memory_space<vmem>>) target(%dma_start3A_59 : memref<128x128xf32, #tpu.memory_space<vmem_shared>>) target_semaphore(%run_scoped3A_52 : memref<!tpu.dma_semaphore, #tpu.memory_space<semaphore_mem>>)
      %dma_wait3A = arith.constant 0 : i32
      %dma_wait3A_64 = arith.constant 0 : i32
      %dma_wait3A_65 = tpu.memref_slice %arg8[%run_scoped3A_21, %dma_wait3A, %dma_wait3A_64] : memref<2x128x128xf32, #tpu.memory_space<vmem>> -> memref<1x128x128xf32, #tpu.memory_space<vmem>>
      %dma_wait3A_66 = tpu.memref_squeeze %dma_wait3A_65 : memref<1x128x128xf32, #tpu.memory_space<vmem>> -> memref<128x128xf32, #tpu.memory_space<vmem>>
      %dma_wait3A_67 = arith.constant 0 : i32
      %dma_wait3A_68 = tpu.memref_slice %arg9[%add3A_20, %dma_wait3A_67] : memref<10240x128xf32, #tpu.memory_space<vmem_shared>> -> memref<128x128xf32, #tpu.memory_space<vmem_shared>>
      %dma_wait3A_69 = arith.constant 0 : i32
      %dma_wait3A_70 = tpu.memref_slice %arg9[%add3A_20, %dma_wait3A_69] : memref<10240x128xf32, #tpu.memory_space<vmem_shared>> -> memref<128x128xf32, #tpu.memory_space<vmem_shared>>
      %dma_wait3A_71 = arith.constant 0 : i32
      %dma_wait3A_72 = arith.constant 0 : i32
      %dma_wait3A_73 = tpu.memref_slice %arg8[%run_scoped3A_21, %dma_wait3A_71, %dma_wait3A_72] : memref<2x128x128xf32, #tpu.memory_space<vmem>> -> memref<1x128x128xf32, #tpu.memory_space<vmem>>
      %dma_wait3A_74 = tpu.memref_squeeze %dma_wait3A_73 : memref<1x128x128xf32, #tpu.memory_space<vmem>> -> memref<128x128xf32, #tpu.memory_space<vmem>>
      tpu.wait_dma2 semaphore(%run_scoped3A_52 : memref<!tpu.dma_semaphore, #tpu.memory_space<semaphore_mem>>) src(%dma_wait3A_74 : memref<128x128xf32, #tpu.memory_space<vmem>>) dst(%dma_wait3A_70 : memref<128x128xf32, #tpu.memory_space<vmem_shared>>)
      tpu.yield
    }) : () -> ()
    %mul3A_22 = arith.constant 640 : i32
    %mul3A_23 = arith.muli %arg1, %mul3A_22 : i32
    %add3A_24 = arith.constant 512 : i32
    %add3A_25 = arith.addi %mul3A_23, %add3A_24 : i32
    %run_scoped3A_26 = arith.constant 0 : i32
    "tpu.region"() ({
      %run_scoped3A_52 = tpu.sem_alloc : memref<!tpu.dma_semaphore, #tpu.memory_space<semaphore_mem>>
      %dma_start3A = arith.constant 0 : i32
      %dma_start3A_53 = arith.constant 0 : i32
      %dma_start3A_54 = tpu.memref_slice %arg8[%run_scoped3A_26, %dma_start3A, %dma_start3A_53] : memref<2x128x128xf32, #tpu.memory_space<vmem>> -> memref<1x128x128xf32, #tpu.memory_space<vmem>>
      %dma_start3A_55 = tpu.memref_squeeze %dma_start3A_54 : memref<1x128x128xf32, #tpu.memory_space<vmem>> -> memref<128x128xf32, #tpu.memory_space<vmem>>
      %dma_start3A_56 = arith.constant 0 : i32
      %dma_start3A_57 = tpu.memref_slice %arg9[%add3A_25, %dma_start3A_56] : memref<10240x128xf32, #tpu.memory_space<vmem_shared>> -> memref<128x128xf32, #tpu.memory_space<vmem_shared>>
      %dma_start3A_58 = arith.constant 0 : i32
      %dma_start3A_59 = tpu.memref_slice %arg9[%add3A_25, %dma_start3A_58] : memref<10240x128xf32, #tpu.memory_space<vmem_shared>> -> memref<128x128xf32, #tpu.memory_space<vmem_shared>>
      %dma_start3A_60 = arith.constant 0 : i32
      %dma_start3A_61 = arith.constant 0 : i32
      %dma_start3A_62 = tpu.memref_slice %arg8[%run_scoped3A_26, %dma_start3A_60, %dma_start3A_61] : memref<2x128x128xf32, #tpu.memory_space<vmem>> -> memref<1x128x128xf32, #tpu.memory_space<vmem>>
      %dma_start3A_63 = tpu.memref_squeeze %dma_start3A_62 : memref<1x128x128xf32, #tpu.memory_space<vmem>> -> memref<128x128xf32, #tpu.memory_space<vmem>>
      tpu.enqueue_dma source(%dma_start3A_63 : memref<128x128xf32, #tpu.memory_space<vmem>>) target(%dma_start3A_59 : memref<128x128xf32, #tpu.memory_space<vmem_shared>>) target_semaphore(%run_scoped3A_52 : memref<!tpu.dma_semaphore, #tpu.memory_space<semaphore_mem>>)
      %dma_wait3A = arith.constant 0 : i32
      %dma_wait3A_64 = arith.constant 0 : i32
      %dma_wait3A_65 = tpu.memref_slice %arg8[%run_scoped3A_26, %dma_wait3A, %dma_wait3A_64] : memref<2x128x128xf32, #tpu.memory_space<vmem>> -> memref<1x128x128xf32, #tpu.memory_space<vmem>>
      %dma_wait3A_66 = tpu.memref_squeeze %dma_wait3A_65 : memref<1x128x128xf32, #tpu.memory_space<vmem>> -> memref<128x128xf32, #tpu.memory_space<vmem>>
      %dma_wait3A_67 = arith.constant 0 : i32
      %dma_wait3A_68 = tpu.memref_slice %arg9[%add3A_25, %dma_wait3A_67] : memref<10240x128xf32, #tpu.memory_space<vmem_shared>> -> memref<128x128xf32, #tpu.memory_space<vmem_shared>>
      %dma_wait3A_69 = arith.constant 0 : i32
      %dma_wait3A_70 = tpu.memref_slice %arg9[%add3A_25, %dma_wait3A_69] : memref<10240x128xf32, #tpu.memory_space<vmem_shared>> -> memref<128x128xf32, #tpu.memory_space<vmem_shared>>
      %dma_wait3A_71 = arith.constant 0 : i32
      %dma_wait3A_72 = arith.constant 0 : i32
      %dma_wait3A_73 = tpu.memref_slice %arg8[%run_scoped3A_26, %dma_wait3A_71, %dma_wait3A_72] : memref<2x128x128xf32, #tpu.memory_space<vmem>> -> memref<1x128x128xf32, #tpu.memory_space<vmem>>
      %dma_wait3A_74 = tpu.memref_squeeze %dma_wait3A_73 : memref<1x128x128xf32, #tpu.memory_space<vmem>> -> memref<128x128xf32, #tpu.memory_space<vmem>>
      tpu.wait_dma2 semaphore(%run_scoped3A_52 : memref<!tpu.dma_semaphore, #tpu.memory_space<semaphore_mem>>) src(%dma_wait3A_74 : memref<128x128xf32, #tpu.memory_space<vmem>>) dst(%dma_wait3A_70 : memref<128x128xf32, #tpu.memory_space<vmem_shared>>)
      tpu.yield
    }) : () -> ()
    %barrier3A = arith.constant 0 : index
    tpu.barrier barrier_id(%barrier3A)
    %eq3A = arith.constant 0 : i32
    %eq3A_27 = arith.cmpi eq, %arg0, %eq3A : i32
    %mul3A_28 = arith.constant 32 : i32
    %mul3A_29 = arith.muli %arg1, %mul3A_28 : i32
    %mul3A_30 = arith.constant 128 : i32
    %mul3A_31 = arith.muli %arg1, %mul3A_30 : i32
    %add3A_32 = arith.constant 512 : i32
    %add3A_33 = arith.addi %add3A_32, %mul3A_31 : i32
    %select_n3A = arith.select %eq3A_27, %mul3A_29, %add3A_33 : i32
    %eq3A_34 = arith.constant 0 : i32
    %eq3A_35 = arith.cmpi eq, %arg0, %eq3A_34 : i32
    %jit3A = arith.constant 1 : i32
    %jit3A_36 = arith.constant 4 : i32
    %select_n3A_37 = arith.select %eq3A_35, %jit3A, %jit3A_36 : i32
    %while3A = arith.constant 0 : i32
    %while3A_38 = arith.constant 0 : i32
    %while3A_39 = arith.subi %select_n3A_37, %while3A_38 : i32
    %while3A_40 = arith.addi %while3A_38, %while3A_39 : i32
    %while3A_41 = arith.constant 1 : i32
    %while3A_42 = arith.divsi %while3A_39, %while3A_41 : i32
    %while3A_43 = arith.muli %while3A_42, %while3A_41 : i32
    %while3A_44 = arith.addi %while3A_38, %while3A_43 : i32
    %while3A_45 = arith.constant 1 : i32
    scf.for %while3A_52 = %while3A_38 to %while3A_44 step %while3A_45  : i32 {
      %mul3A_53 = arith.constant 32 : i32
      %mul3A_54 = arith.muli %while3A_52, %mul3A_53 : i32
      %add3A_55 = arith.addi %select_n3A, %mul3A_54 : i32
      "tpu.region"() ({
        %run_scoped3A_112 = tpu.sem_alloc : memref<!tpu.dma_semaphore, #tpu.memory_space<semaphore_mem>>
        %dma_start3A_113 = arith.constant 0 : i32
        %dma_start3A_114 = tpu.memref_slice %arg3[%add3A_55, %dma_start3A_113] : memref<2560x128xi32, #tpu.memory_space<hbm>> -> memref<32x128xi32, #tpu.memory_space<hbm>>
        %dma_start3A_115 = arith.constant 0 : i32
        %dma_start3A_116 = tpu.memref_slice %arg3[%add3A_55, %dma_start3A_115] : memref<2560x128xi32, #tpu.memory_space<hbm>> -> memref<32x128xi32, #tpu.memory_space<hbm>>
        tpu.enqueue_dma source(%dma_start3A_116 : memref<32x128xi32, #tpu.memory_space<hbm>>) target(%arg6 : memref<32x128xi32, #tpu.memory_space<vmem>>) target_semaphore(%run_scoped3A_112 : memref<!tpu.dma_semaphore, #tpu.memory_space<semaphore_mem>>)
        %dma_wait3A_117 = arith.constant 0 : i32
        %dma_wait3A_118 = tpu.memref_slice %arg3[%add3A_55, %dma_wait3A_117] : memref<2560x128xi32, #tpu.memory_space<hbm>> -> memref<32x128xi32, #tpu.memory_space<hbm>>
        %dma_wait3A_119 = arith.constant 0 : i32
        %dma_wait3A_120 = tpu.memref_slice %arg3[%add3A_55, %dma_wait3A_119] : memref<2560x128xi32, #tpu.memory_space<hbm>> -> memref<32x128xi32, #tpu.memory_space<hbm>>
        tpu.wait_dma2 semaphore(%run_scoped3A_112 : memref<!tpu.dma_semaphore, #tpu.memory_space<semaphore_mem>>) src(%dma_wait3A_120 : memref<32x128xi32, #tpu.memory_space<hbm>>) dst(%arg6 : memref<32x128xi32, #tpu.memory_space<vmem>>)
        tpu.yield
      }) : () -> ()
      "tpu.region"() ({
        %run_scoped3A_112 = tpu.sem_alloc : memref<!tpu.dma_semaphore, #tpu.memory_space<semaphore_mem>>
        %dma_start3A_113 = arith.constant 0 : i32
        %dma_start3A_114 = tpu.memref_slice %arg4[%add3A_55, %dma_start3A_113] : memref<2560x128xi32, #tpu.memory_space<hbm>> -> memref<32x128xi32, #tpu.memory_space<hbm>>
        %dma_start3A_115 = arith.constant 0 : i32
        %dma_start3A_116 = tpu.memref_slice %arg4[%add3A_55, %dma_start3A_115] : memref<2560x128xi32, #tpu.memory_space<hbm>> -> memref<32x128xi32, #tpu.memory_space<hbm>>
        tpu.enqueue_dma source(%dma_start3A_116 : memref<32x128xi32, #tpu.memory_space<hbm>>) target(%arg7 : memref<32x128xi32, #tpu.memory_space<vmem>>) target_semaphore(%run_scoped3A_112 : memref<!tpu.dma_semaphore, #tpu.memory_space<semaphore_mem>>)
        %dma_wait3A_117 = arith.constant 0 : i32
        %dma_wait3A_118 = tpu.memref_slice %arg4[%add3A_55, %dma_wait3A_117] : memref<2560x128xi32, #tpu.memory_space<hbm>> -> memref<32x128xi32, #tpu.memory_space<hbm>>
        %dma_wait3A_119 = arith.constant 0 : i32
        %dma_wait3A_120 = tpu.memref_slice %arg4[%add3A_55, %dma_wait3A_119] : memref<2560x128xi32, #tpu.memory_space<hbm>> -> memref<32x128xi32, #tpu.memory_space<hbm>>
        tpu.wait_dma2 semaphore(%run_scoped3A_112 : memref<!tpu.dma_semaphore, #tpu.memory_space<semaphore_mem>>) src(%dma_wait3A_120 : memref<32x128xi32, #tpu.memory_space<hbm>>) dst(%arg7 : memref<32x128xi32, #tpu.memory_space<vmem>>)
        tpu.yield
      }) : () -> ()
      %dma_start3A = arith.constant 0 : i32
      %dma_start3A_56 = arith.constant 0 : i32
      %dma_start3A_57 = arith.constant 0 : i32
      %dma_start3A_58 = arith.constant 0 : i32
      %dma_start3A_59 = tpu.memref_slice %arg8[%dma_start3A_56, %dma_start3A_57, %dma_start3A_58] : memref<2x128x128xf32, #tpu.memory_space<vmem>> -> memref<1x128x128xf32, #tpu.memory_space<vmem>>
      %dma_start3A_60 = tpu.memref_squeeze %dma_start3A_59 : memref<1x128x128xf32, #tpu.memory_space<vmem>> -> memref<128x128xf32, #tpu.memory_space<vmem>>
      %dma_start3A_61 = arith.constant 0 : i32
      %dma_start3A_62 = tpu.memref_slice %arg6[%dma_start3A, %dma_start3A_61] : memref<32x128xi32, #tpu.memory_space<vmem>> -> memref<1x128xi32, #tpu.memory_space<vmem>>
      %dma_start3A_63 = tpu.memref_squeeze %dma_start3A_62 : memref<1x128xi32, #tpu.memory_space<vmem>> -> memref<128xi32, #tpu.memory_space<vmem>>
      %dma_start3A_64 = arith.constant 0 : i32
      %dma_start3A_65 = arith.constant 0 : i32
      %dma_start3A_66 = tpu.memref_slice %arg2[%dma_start3A_64, %dma_start3A_65] : memref<10000x128xf32, #tpu.memory_space<hbm>> -> memref<10000x128xf32, #tpu.memory_space<hbm>>
      tpu.enqueue_indirect_dma source(%dma_start3A_66 : memref<10000x128xf32, #tpu.memory_space<hbm>>) target(%dma_start3A_60 : memref<128x128xf32, #tpu.memory_space<vmem>>) offsets(%dma_start3A_63 : memref<128xi32, #tpu.memory_space<vmem>>) semaphore(%arg10 : memref<!tpu.dma_semaphore, #tpu.memory_space<semaphore_mem>>)
      %scan3A_67 = arith.constant 0 : i32
      %scan3A_68 = arith.constant 0 : i32
      %scan3A_69 = arith.constant 15 : i32
      %scan3A_70 = arith.addi %scan3A_68, %scan3A_69 : i32
      %scan3A_71 = arith.constant 1 : i32
      scf.for %scan3A_112 = %scan3A_68 to %scan3A_70 step %scan3A_71  : i32 {
        %mul3A_113 = arith.constant 2 : i32
        %mul3A_114 = arith.muli %mul3A_113, %scan3A_112 : i32
        %add3A_115 = arith.constant 1 : i32
        %add3A_116 = arith.addi %mul3A_114, %add3A_115 : i32
        %dma_start3A_117 = arith.constant 1 : i32
        %dma_start3A_118 = arith.constant 0 : i32
        %dma_start3A_119 = arith.constant 0 : i32
        %dma_start3A_120 = tpu.memref_slice %arg8[%dma_start3A_117, %dma_start3A_118, %dma_start3A_119] : memref<2x128x128xf32, #tpu.memory_space<vmem>> -> memref<1x128x128xf32, #tpu.memory_space<vmem>>
        %dma_start3A_121 = tpu.memref_squeeze %dma_start3A_120 : memref<1x128x128xf32, #tpu.memory_space<vmem>> -> memref<128x128xf32, #tpu.memory_space<vmem>>
        %dma_start3A_122 = arith.constant 0 : i32
        %dma_start3A_123 = tpu.memref_slice %arg6[%add3A_116, %dma_start3A_122] : memref<32x128xi32, #tpu.memory_space<vmem>> -> memref<1x128xi32, #tpu.memory_space<vmem>>
        %dma_start3A_124 = tpu.memref_squeeze %dma_start3A_123 : memref<1x128xi32, #tpu.memory_space<vmem>> -> memref<128xi32, #tpu.memory_space<vmem>>
        %dma_start3A_125 = arith.constant 0 : i32
        %dma_start3A_126 = arith.constant 0 : i32
        %dma_start3A_127 = tpu.memref_slice %arg2[%dma_start3A_125, %dma_start3A_126] : memref<10000x128xf32, #tpu.memory_space<hbm>> -> memref<10000x128xf32, #tpu.memory_space<hbm>>
        tpu.enqueue_indirect_dma source(%dma_start3A_127 : memref<10000x128xf32, #tpu.memory_space<hbm>>) target(%dma_start3A_121 : memref<128x128xf32, #tpu.memory_space<vmem>>) offsets(%dma_start3A_124 : memref<128xi32, #tpu.memory_space<vmem>>) semaphore(%arg11 : memref<!tpu.dma_semaphore, #tpu.memory_space<semaphore_mem>>)
        %dma_wait3A_128 = arith.constant 0 : i32
        %dma_wait3A_129 = arith.constant 0 : i32
        %dma_wait3A_130 = arith.constant 0 : i32
        %dma_wait3A_131 = tpu.memref_slice %arg8[%dma_wait3A_128, %dma_wait3A_129, %dma_wait3A_130] : memref<2x128x128xf32, #tpu.memory_space<vmem>> -> memref<1x128x128xf32, #tpu.memory_space<vmem>>
        %dma_wait3A_132 = tpu.memref_squeeze %dma_wait3A_131 : memref<1x128x128xf32, #tpu.memory_space<vmem>> -> memref<128x128xf32, #tpu.memory_space<vmem>>
        %dma_wait3A_133 = arith.constant 0 : i32
        %dma_wait3A_134 = tpu.memref_slice %arg6[%mul3A_114, %dma_wait3A_133] : memref<32x128xi32, #tpu.memory_space<vmem>> -> memref<1x128xi32, #tpu.memory_space<vmem>>
        %dma_wait3A_135 = tpu.memref_squeeze %dma_wait3A_134 : memref<1x128xi32, #tpu.memory_space<vmem>> -> memref<128xi32, #tpu.memory_space<vmem>>
        %dma_wait3A_136 = arith.constant 0 : i32
        %dma_wait3A_137 = arith.constant 0 : i32
        %dma_wait3A_138 = tpu.memref_slice %arg2[%dma_wait3A_136, %dma_wait3A_137] : memref<10000x128xf32, #tpu.memory_space<hbm>> -> memref<10000x128xf32, #tpu.memory_space<hbm>>
        tpu.wait_indirect_dma semaphore(%arg10 : memref<!tpu.dma_semaphore, #tpu.memory_space<semaphore_mem>>) src(%dma_wait3A_138 : memref<10000x128xf32, #tpu.memory_space<hbm>>) dst(%dma_wait3A_132 : memref<128x128xf32, #tpu.memory_space<vmem>>)
        %run_scoped3A_139 = arith.constant 0 : i32
        "tpu.region"() ({
          %run_scoped3A_167 = tpu.sem_alloc : memref<!tpu.dma_semaphore, #tpu.memory_space<semaphore_mem>>
          %dma_start3A_168 = arith.constant 0 : i32
          %dma_start3A_169 = arith.constant 0 : i32
          %dma_start3A_170 = tpu.memref_slice %arg8[%run_scoped3A_139, %dma_start3A_168, %dma_start3A_169] : memref<2x128x128xf32, #tpu.memory_space<vmem>> -> memref<1x128x128xf32, #tpu.memory_space<vmem>>
          %dma_start3A_171 = tpu.memref_squeeze %dma_start3A_170 : memref<1x128x128xf32, #tpu.memory_space<vmem>> -> memref<128x128xf32, #tpu.memory_space<vmem>>
          %dma_start3A_172 = arith.constant 0 : i32
          %dma_start3A_173 = tpu.memref_slice %arg7[%mul3A_114, %dma_start3A_172] : memref<32x128xi32, #tpu.memory_space<vmem>> -> memref<1x128xi32, #tpu.memory_space<vmem>>
          %dma_start3A_174 = tpu.memref_squeeze %dma_start3A_173 : memref<1x128xi32, #tpu.memory_space<vmem>> -> memref<128xi32, #tpu.memory_space<vmem>>
          %dma_start3A_175 = arith.constant 0 : i32
          %dma_start3A_176 = arith.constant 0 : i32
          %dma_start3A_177 = tpu.memref_slice %arg9[%dma_start3A_175, %dma_start3A_176] : memref<10240x128xf32, #tpu.memory_space<vmem_shared>> -> memref<10240x128xf32, #tpu.memory_space<vmem_shared>>
          tpu.enqueue_indirect_dma source(%dma_start3A_171 : memref<128x128xf32, #tpu.memory_space<vmem>>) target(%dma_start3A_177 : memref<10240x128xf32, #tpu.memory_space<vmem_shared>>) offsets(%dma_start3A_174 : memref<128xi32, #tpu.memory_space<vmem>>) semaphore(%run_scoped3A_167 : memref<!tpu.dma_semaphore, #tpu.memory_space<semaphore_mem>>) {add = true}
          %dma_wait3A_178 = arith.constant 0 : i32
          %dma_wait3A_179 = arith.constant 0 : i32
          %dma_wait3A_180 = tpu.memref_slice %arg8[%run_scoped3A_139, %dma_wait3A_178, %dma_wait3A_179] : memref<2x128x128xf32, #tpu.memory_space<vmem>> -> memref<1x128x128xf32, #tpu.memory_space<vmem>>
          %dma_wait3A_181 = tpu.memref_squeeze %dma_wait3A_180 : memref<1x128x128xf32, #tpu.memory_space<vmem>> -> memref<128x128xf32, #tpu.memory_space<vmem>>
          %dma_wait3A_182 = arith.constant 0 : i32
          %dma_wait3A_183 = tpu.memref_slice %arg7[%mul3A_114, %dma_wait3A_182] : memref<32x128xi32, #tpu.memory_space<vmem>> -> memref<1x128xi32, #tpu.memory_space<vmem>>
          %dma_wait3A_184 = tpu.memref_squeeze %dma_wait3A_183 : memref<1x128xi32, #tpu.memory_space<vmem>> -> memref<128xi32, #tpu.memory_space<vmem>>
          %dma_wait3A_185 = arith.constant 0 : i32
          %dma_wait3A_186 = arith.constant 0 : i32
          %dma_wait3A_187 = tpu.memref_slice %arg9[%dma_wait3A_185, %dma_wait3A_186] : memref<10240x128xf32, #tpu.memory_space<vmem_shared>> -> memref<10240x128xf32, #tpu.memory_space<vmem_shared>>
          tpu.wait_indirect_dma semaphore(%run_scoped3A_167 : memref<!tpu.dma_semaphore, #tpu.memory_space<semaphore_mem>>) src(%dma_wait3A_181 : memref<128x128xf32, #tpu.memory_space<vmem>>) dst(%dma_wait3A_187 : memref<10240x128xf32, #tpu.memory_space<vmem_shared>>)
          tpu.yield
        }) : () -> ()
        %add3A_140 = arith.constant 2 : i32
        %add3A_141 = arith.addi %mul3A_114, %add3A_140 : i32
        %dma_start3A_142 = arith.constant 0 : i32
        %dma_start3A_143 = arith.constant 0 : i32
        %dma_start3A_144 = arith.constant 0 : i32
        %dma_start3A_145 = tpu.memref_slice %arg8[%dma_start3A_142, %dma_start3A_143, %dma_start3A_144] : memref<2x128x128xf32, #tpu.memory_space<vmem>> -> memref<1x128x128xf32, #tpu.memory_space<vmem>>
        %dma_start3A_146 = tpu.memref_squeeze %dma_start3A_145 : memref<1x128x128xf32, #tpu.memory_space<vmem>> -> memref<128x128xf32, #tpu.memory_space<vmem>>
        %dma_start3A_147 = arith.constant 0 : i32
        %dma_start3A_148 = tpu.memref_slice %arg6[%add3A_141, %dma_start3A_147] : memref<32x128xi32, #tpu.memory_space<vmem>> -> memref<1x128xi32, #tpu.memory_space<vmem>>
        %dma_start3A_149 = tpu.memref_squeeze %dma_start3A_148 : memref<1x128xi32, #tpu.memory_space<vmem>> -> memref<128xi32, #tpu.memory_space<vmem>>
        %dma_start3A_150 = arith.constant 0 : i32
        %dma_start3A_151 = arith.constant 0 : i32
        %dma_start3A_152 = tpu.memref_slice %arg2[%dma_start3A_150, %dma_start3A_151] : memref<10000x128xf32, #tpu.memory_space<hbm>> -> memref<10000x128xf32, #tpu.memory_space<hbm>>
        tpu.enqueue_indirect_dma source(%dma_start3A_152 : memref<10000x128xf32, #tpu.memory_space<hbm>>) target(%dma_start3A_146 : memref<128x128xf32, #tpu.memory_space<vmem>>) offsets(%dma_start3A_149 : memref<128xi32, #tpu.memory_space<vmem>>) semaphore(%arg10 : memref<!tpu.dma_semaphore, #tpu.memory_space<semaphore_mem>>)
        %add3A_153 = arith.constant 1 : i32
        %add3A_154 = arith.addi %mul3A_114, %add3A_153 : i32
        %dma_wait3A_155 = arith.constant 1 : i32
        %dma_wait3A_156 = arith.constant 0 : i32
        %dma_wait3A_157 = arith.constant 0 : i32
        %dma_wait3A_158 = tpu.memref_slice %arg8[%dma_wait3A_155, %dma_wait3A_156, %dma_wait3A_157] : memref<2x128x128xf32, #tpu.memory_space<vmem>> -> memref<1x128x128xf32, #tpu.memory_space<vmem>>
        %dma_wait3A_159 = tpu.memref_squeeze %dma_wait3A_158 : memref<1x128x128xf32, #tpu.memory_space<vmem>> -> memref<128x128xf32, #tpu.memory_space<vmem>>
        %dma_wait3A_160 = arith.constant 0 : i32
        %dma_wait3A_161 = tpu.memref_slice %arg6[%add3A_154, %dma_wait3A_160] : memref<32x128xi32, #tpu.memory_space<vmem>> -> memref<1x128xi32, #tpu.memory_space<vmem>>
        %dma_wait3A_162 = tpu.memref_squeeze %dma_wait3A_161 : memref<1x128xi32, #tpu.memory_space<vmem>> -> memref<128xi32, #tpu.memory_space<vmem>>
        %dma_wait3A_163 = arith.constant 0 : i32
        %dma_wait3A_164 = arith.constant 0 : i32
        %dma_wait3A_165 = tpu.memref_slice %arg2[%dma_wait3A_163, %dma_wait3A_164] : memref<10000x128xf32, #tpu.memory_space<hbm>> -> memref<10000x128xf32, #tpu.memory_space<hbm>>
        tpu.wait_indirect_dma semaphore(%arg11 : memref<!tpu.dma_semaphore, #tpu.memory_space<semaphore_mem>>) src(%dma_wait3A_165 : memref<10000x128xf32, #tpu.memory_space<hbm>>) dst(%dma_wait3A_159 : memref<128x128xf32, #tpu.memory_space<vmem>>)
        %run_scoped3A_166 = arith.constant 1 : i32
        "tpu.region"() ({
          %run_scoped3A_167 = tpu.sem_alloc : memref<!tpu.dma_semaphore, #tpu.memory_space<semaphore_mem>>
          %dma_start3A_168 = arith.constant 0 : i32
          %dma_start3A_169 = arith.constant 0 : i32
          %dma_start3A_170 = tpu.memref_slice %arg8[%run_scoped3A_166, %dma_start3A_168, %dma_start3A_169] : memref<2x128x128xf32, #tpu.memory_space<vmem>> -> memref<1x128x128xf32, #tpu.memory_space<vmem>>
          %dma_start3A_171 = tpu.memref_squeeze %dma_start3A_170 : memref<1x128x128xf32, #tpu.memory_space<vmem>> -> memref<128x128xf32, #tpu.memory_space<vmem>>
          %dma_start3A_172 = arith.constant 0 : i32
          %dma_start3A_173 = tpu.memref_slice %arg7[%add3A_154, %dma_start3A_172] : memref<32x128xi32, #tpu.memory_space<vmem>> -> memref<1x128xi32, #tpu.memory_space<vmem>>
          %dma_start3A_174 = tpu.memref_squeeze %dma_start3A_173 : memref<1x128xi32, #tpu.memory_space<vmem>> -> memref<128xi32, #tpu.memory_space<vmem>>
          %dma_start3A_175 = arith.constant 0 : i32
          %dma_start3A_176 = arith.constant 0 : i32
          %dma_start3A_177 = tpu.memref_slice %arg9[%dma_start3A_175, %dma_start3A_176] : memref<10240x128xf32, #tpu.memory_space<vmem_shared>> -> memref<10240x128xf32, #tpu.memory_space<vmem_shared>>
          tpu.enqueue_indirect_dma source(%dma_start3A_171 : memref<128x128xf32, #tpu.memory_space<vmem>>) target(%dma_start3A_177 : memref<10240x128xf32, #tpu.memory_space<vmem_shared>>) offsets(%dma_start3A_174 : memref<128xi32, #tpu.memory_space<vmem>>) semaphore(%run_scoped3A_167 : memref<!tpu.dma_semaphore, #tpu.memory_space<semaphore_mem>>) {add = true}
          %dma_wait3A_178 = arith.constant 0 : i32
          %dma_wait3A_179 = arith.constant 0 : i32
          %dma_wait3A_180 = tpu.memref_slice %arg8[%run_scoped3A_166, %dma_wait3A_178, %dma_wait3A_179] : memref<2x128x128xf32, #tpu.memory_space<vmem>> -> memref<1x128x128xf32, #tpu.memory_space<vmem>>
          %dma_wait3A_181 = tpu.memref_squeeze %dma_wait3A_180 : memref<1x128x128xf32, #tpu.memory_space<vmem>> -> memref<128x128xf32, #tpu.memory_space<vmem>>
          %dma_wait3A_182 = arith.constant 0 : i32
          %dma_wait3A_183 = tpu.memref_slice %arg7[%add3A_154, %dma_wait3A_182] : memref<32x128xi32, #tpu.memory_space<vmem>> -> memref<1x128xi32, #tpu.memory_space<vmem>>
          %dma_wait3A_184 = tpu.memref_squeeze %dma_wait3A_183 : memref<1x128xi32, #tpu.memory_space<vmem>> -> memref<128xi32, #tpu.memory_space<vmem>>
          %dma_wait3A_185 = arith.constant 0 : i32
          %dma_wait3A_186 = arith.constant 0 : i32
          %dma_wait3A_187 = tpu.memref_slice %arg9[%dma_wait3A_185, %dma_wait3A_186] : memref<10240x128xf32, #tpu.memory_space<vmem_shared>> -> memref<10240x128xf32, #tpu.memory_space<vmem_shared>>
          tpu.wait_indirect_dma semaphore(%run_scoped3A_167 : memref<!tpu.dma_semaphore, #tpu.memory_space<semaphore_mem>>) src(%dma_wait3A_181 : memref<128x128xf32, #tpu.memory_space<vmem>>) dst(%dma_wait3A_187 : memref<10240x128xf32, #tpu.memory_space<vmem_shared>>)
          tpu.yield
        }) : () -> ()
      }
      %scan3A_72 = arith.constant 15 : i32
      %dma_start3A_73 = arith.constant 31 : i32
      %dma_start3A_74 = arith.constant 1 : i32
      %dma_start3A_75 = arith.constant 0 : i32
      %dma_start3A_76 = arith.constant 0 : i32
      %dma_start3A_77 = tpu.memref_slice %arg8[%dma_start3A_74, %dma_start3A_75, %dma_start3A_76] : memref<2x128x128xf32, #tpu.memory_space<vmem>> -> memref<1x128x128xf32, #tpu.memory_space<vmem>>
      %dma_start3A_78 = tpu.memref_squeeze %dma_start3A_77 : memref<1x128x128xf32, #tpu.memory_space<vmem>> -> memref<128x128xf32, #tpu.memory_space<vmem>>
      %dma_start3A_79 = arith.constant 0 : i32
      %dma_start3A_80 = tpu.memref_slice %arg6[%dma_start3A_73, %dma_start3A_79] : memref<32x128xi32, #tpu.memory_space<vmem>> -> memref<1x128xi32, #tpu.memory_space<vmem>>
      %dma_start3A_81 = tpu.memref_squeeze %dma_start3A_80 : memref<1x128xi32, #tpu.memory_space<vmem>> -> memref<128xi32, #tpu.memory_space<vmem>>
      %dma_start3A_82 = arith.constant 0 : i32
      %dma_start3A_83 = arith.constant 0 : i32
      %dma_start3A_84 = tpu.memref_slice %arg2[%dma_start3A_82, %dma_start3A_83] : memref<10000x128xf32, #tpu.memory_space<hbm>> -> memref<10000x128xf32, #tpu.memory_space<hbm>>
      tpu.enqueue_indirect_dma source(%dma_start3A_84 : memref<10000x128xf32, #tpu.memory_space<hbm>>) target(%dma_start3A_78 : memref<128x128xf32, #tpu.memory_space<vmem>>) offsets(%dma_start3A_81 : memref<128xi32, #tpu.memory_space<vmem>>) semaphore(%arg11 : memref<!tpu.dma_semaphore, #tpu.memory_space<semaphore_mem>>)
      %dma_wait3A = arith.constant 30 : i32
      %dma_wait3A_85 = arith.constant 0 : i32
      %dma_wait3A_86 = arith.constant 0 : i32
      %dma_wait3A_87 = arith.constant 0 : i32
      %dma_wait3A_88 = tpu.memref_slice %arg8[%dma_wait3A_85, %dma_wait3A_86, %dma_wait3A_87] : memref<2x128x128xf32, #tpu.memory_space<vmem>> -> memref<1x128x128xf32, #tpu.memory_space<vmem>>
      %dma_wait3A_89 = tpu.memref_squeeze %dma_wait3A_88 : memref<1x128x128xf32, #tpu.memory_space<vmem>> -> memref<128x128xf32, #tpu.memory_space<vmem>>
      %dma_wait3A_90 = arith.constant 0 : i32
      %dma_wait3A_91 = tpu.memref_slice %arg6[%dma_wait3A, %dma_wait3A_90] : memref<32x128xi32, #tpu.memory_space<vmem>> -> memref<1x128xi32, #tpu.memory_space<vmem>>
      %dma_wait3A_92 = tpu.memref_squeeze %dma_wait3A_91 : memref<1x128xi32, #tpu.memory_space<vmem>> -> memref<128xi32, #tpu.memory_space<vmem>>
      %dma_wait3A_93 = arith.constant 0 : i32
      %dma_wait3A_94 = arith.constant 0 : i32
      %dma_wait3A_95 = tpu.memref_slice %arg2[%dma_wait3A_93, %dma_wait3A_94] : memref<10000x128xf32, #tpu.memory_space<hbm>> -> memref<10000x128xf32, #tpu.memory_space<hbm>>
      tpu.wait_indirect_dma semaphore(%arg10 : memref<!tpu.dma_semaphore, #tpu.memory_space<semaphore_mem>>) src(%dma_wait3A_95 : memref<10000x128xf32, #tpu.memory_space<hbm>>) dst(%dma_wait3A_89 : memref<128x128xf32, #tpu.memory_space<vmem>>)
      %run_scoped3A_96 = arith.constant 0 : i32
      %run_scoped3A_97 = arith.constant 30 : i32
      "tpu.region"() ({
        %run_scoped3A_112 = tpu.sem_alloc : memref<!tpu.dma_semaphore, #tpu.memory_space<semaphore_mem>>
        %dma_start3A_113 = arith.constant 0 : i32
        %dma_start3A_114 = arith.constant 0 : i32
        %dma_start3A_115 = tpu.memref_slice %arg8[%run_scoped3A_96, %dma_start3A_113, %dma_start3A_114] : memref<2x128x128xf32, #tpu.memory_space<vmem>> -> memref<1x128x128xf32, #tpu.memory_space<vmem>>
        %dma_start3A_116 = tpu.memref_squeeze %dma_start3A_115 : memref<1x128x128xf32, #tpu.memory_space<vmem>> -> memref<128x128xf32, #tpu.memory_space<vmem>>
        %dma_start3A_117 = arith.constant 0 : i32
        %dma_start3A_118 = tpu.memref_slice %arg7[%run_scoped3A_97, %dma_start3A_117] : memref<32x128xi32, #tpu.memory_space<vmem>> -> memref<1x128xi32, #tpu.memory_space<vmem>>
        %dma_start3A_119 = tpu.memref_squeeze %dma_start3A_118 : memref<1x128xi32, #tpu.memory_space<vmem>> -> memref<128xi32, #tpu.memory_space<vmem>>
        %dma_start3A_120 = arith.constant 0 : i32
        %dma_start3A_121 = arith.constant 0 : i32
        %dma_start3A_122 = tpu.memref_slice %arg9[%dma_start3A_120, %dma_start3A_121] : memref<10240x128xf32, #tpu.memory_space<vmem_shared>> -> memref<10240x128xf32, #tpu.memory_space<vmem_shared>>
        tpu.enqueue_indirect_dma source(%dma_start3A_116 : memref<128x128xf32, #tpu.memory_space<vmem>>) target(%dma_start3A_122 : memref<10240x128xf32, #tpu.memory_space<vmem_shared>>) offsets(%dma_start3A_119 : memref<128xi32, #tpu.memory_space<vmem>>) semaphore(%run_scoped3A_112 : memref<!tpu.dma_semaphore, #tpu.memory_space<semaphore_mem>>) {add = true}
        %dma_wait3A_123 = arith.constant 0 : i32
        %dma_wait3A_124 = arith.constant 0 : i32
        %dma_wait3A_125 = tpu.memref_slice %arg8[%run_scoped3A_96, %dma_wait3A_123, %dma_wait3A_124] : memref<2x128x128xf32, #tpu.memory_space<vmem>> -> memref<1x128x128xf32, #tpu.memory_space<vmem>>
        %dma_wait3A_126 = tpu.memref_squeeze %dma_wait3A_125 : memref<1x128x128xf32, #tpu.memory_space<vmem>> -> memref<128x128xf32, #tpu.memory_space<vmem>>
        %dma_wait3A_127 = arith.constant 0 : i32
        %dma_wait3A_128 = tpu.memref_slice %arg7[%run_scoped3A_97, %dma_wait3A_127] : memref<32x128xi32, #tpu.memory_space<vmem>> -> memref<1x128xi32, #tpu.memory_space<vmem>>
        %dma_wait3A_129 = tpu.memref_squeeze %dma_wait3A_128 : memref<1x128xi32, #tpu.memory_space<vmem>> -> memref<128xi32, #tpu.memory_space<vmem>>
        %dma_wait3A_130 = arith.constant 0 : i32
        %dma_wait3A_131 = arith.constant 0 : i32
        %dma_wait3A_132 = tpu.memref_slice %arg9[%dma_wait3A_130, %dma_wait3A_131] : memref<10240x128xf32, #tpu.memory_space<vmem_shared>> -> memref<10240x128xf32, #tpu.memory_space<vmem_shared>>
        tpu.wait_indirect_dma semaphore(%run_scoped3A_112 : memref<!tpu.dma_semaphore, #tpu.memory_space<semaphore_mem>>) src(%dma_wait3A_126 : memref<128x128xf32, #tpu.memory_space<vmem>>) dst(%dma_wait3A_132 : memref<10240x128xf32, #tpu.memory_space<vmem_shared>>)
        tpu.yield
      }) : () -> ()
      %dma_wait3A_98 = arith.constant 31 : i32
      %dma_wait3A_99 = arith.constant 1 : i32
      %dma_wait3A_100 = arith.constant 0 : i32
      %dma_wait3A_101 = arith.constant 0 : i32
      %dma_wait3A_102 = tpu.memref_slice %arg8[%dma_wait3A_99, %dma_wait3A_100, %dma_wait3A_101] : memref<2x128x128xf32, #tpu.memory_space<vmem>> -> memref<1x128x128xf32, #tpu.memory_space<vmem>>
      %dma_wait3A_103 = tpu.memref_squeeze %dma_wait3A_102 : memref<1x128x128xf32, #tpu.memory_space<vmem>> -> memref<128x128xf32, #tpu.memory_space<vmem>>
      %dma_wait3A_104 = arith.constant 0 : i32
      %dma_wait3A_105 = tpu.memref_slice %arg6[%dma_wait3A_98, %dma_wait3A_104] : memref<32x128xi32, #tpu.memory_space<vmem>> -> memref<1x128xi32, #tpu.memory_space<vmem>>
      %dma_wait3A_106 = tpu.memref_squeeze %dma_wait3A_105 : memref<1x128xi32, #tpu.memory_space<vmem>> -> memref<128xi32, #tpu.memory_space<vmem>>
      %dma_wait3A_107 = arith.constant 0 : i32
      %dma_wait3A_108 = arith.constant 0 : i32
      %dma_wait3A_109 = tpu.memref_slice %arg2[%dma_wait3A_107, %dma_wait3A_108] : memref<10000x128xf32, #tpu.memory_space<hbm>> -> memref<10000x128xf32, #tpu.memory_space<hbm>>
      tpu.wait_indirect_dma semaphore(%arg11 : memref<!tpu.dma_semaphore, #tpu.memory_space<semaphore_mem>>) src(%dma_wait3A_109 : memref<10000x128xf32, #tpu.memory_space<hbm>>) dst(%dma_wait3A_103 : memref<128x128xf32, #tpu.memory_space<vmem>>)
      %run_scoped3A_110 = arith.constant 1 : i32
      %run_scoped3A_111 = arith.constant 31 : i32
      "tpu.region"() ({
        %run_scoped3A_112 = tpu.sem_alloc : memref<!tpu.dma_semaphore, #tpu.memory_space<semaphore_mem>>
        %dma_start3A_113 = arith.constant 0 : i32
        %dma_start3A_114 = arith.constant 0 : i32
        %dma_start3A_115 = tpu.memref_slice %arg8[%run_scoped3A_110, %dma_start3A_113, %dma_start3A_114] : memref<2x128x128xf32, #tpu.memory_space<vmem>> -> memref<1x128x128xf32, #tpu.memory_space<vmem>>
        %dma_start3A_116 = tpu.memref_squeeze %dma_start3A_115 : memref<1x128x128xf32, #tpu.memory_space<vmem>> -> memref<128x128xf32, #tpu.memory_space<vmem>>
        %dma_start3A_117 = arith.constant 0 : i32
        %dma_start3A_118 = tpu.memref_slice %arg7[%run_scoped3A_111, %dma_start3A_117] : memref<32x128xi32, #tpu.memory_space<vmem>> -> memref<1x128xi32, #tpu.memory_space<vmem>>
        %dma_start3A_119 = tpu.memref_squeeze %dma_start3A_118 : memref<1x128xi32, #tpu.memory_space<vmem>> -> memref<128xi32, #tpu.memory_space<vmem>>
        %dma_start3A_120 = arith.constant 0 : i32
        %dma_start3A_121 = arith.constant 0 : i32
        %dma_start3A_122 = tpu.memref_slice %arg9[%dma_start3A_120, %dma_start3A_121] : memref<10240x128xf32, #tpu.memory_space<vmem_shared>> -> memref<10240x128xf32, #tpu.memory_space<vmem_shared>>
        tpu.enqueue_indirect_dma source(%dma_start3A_116 : memref<128x128xf32, #tpu.memory_space<vmem>>) target(%dma_start3A_122 : memref<10240x128xf32, #tpu.memory_space<vmem_shared>>) offsets(%dma_start3A_119 : memref<128xi32, #tpu.memory_space<vmem>>) semaphore(%run_scoped3A_112 : memref<!tpu.dma_semaphore, #tpu.memory_space<semaphore_mem>>) {add = true}
        %dma_wait3A_123 = arith.constant 0 : i32
        %dma_wait3A_124 = arith.constant 0 : i32
        %dma_wait3A_125 = tpu.memref_slice %arg8[%run_scoped3A_110, %dma_wait3A_123, %dma_wait3A_124] : memref<2x128x128xf32, #tpu.memory_space<vmem>> -> memref<1x128x128xf32, #tpu.memory_space<vmem>>
        %dma_wait3A_126 = tpu.memref_squeeze %dma_wait3A_125 : memref<1x128x128xf32, #tpu.memory_space<vmem>> -> memref<128x128xf32, #tpu.memory_space<vmem>>
        %dma_wait3A_127 = arith.constant 0 : i32
        %dma_wait3A_128 = tpu.memref_slice %arg7[%run_scoped3A_111, %dma_wait3A_127] : memref<32x128xi32, #tpu.memory_space<vmem>> -> memref<1x128xi32, #tpu.memory_space<vmem>>
        %dma_wait3A_129 = tpu.memref_squeeze %dma_wait3A_128 : memref<1x128xi32, #tpu.memory_space<vmem>> -> memref<128xi32, #tpu.memory_space<vmem>>
        %dma_wait3A_130 = arith.constant 0 : i32
        %dma_wait3A_131 = arith.constant 0 : i32
        %dma_wait3A_132 = tpu.memref_slice %arg9[%dma_wait3A_130, %dma_wait3A_131] : memref<10240x128xf32, #tpu.memory_space<vmem_shared>> -> memref<10240x128xf32, #tpu.memory_space<vmem_shared>>
        tpu.wait_indirect_dma semaphore(%run_scoped3A_112 : memref<!tpu.dma_semaphore, #tpu.memory_space<semaphore_mem>>) src(%dma_wait3A_126 : memref<128x128xf32, #tpu.memory_space<vmem>>) dst(%dma_wait3A_132 : memref<10240x128xf32, #tpu.memory_space<vmem_shared>>)
        tpu.yield
      }) : () -> ()
    }
    %while3A_46 = arith.constant 1 : i32
    scf.for %while3A_52 = %while3A_44 to %while3A_40 step %while3A_46  : i32 {
      %mul3A_53 = arith.constant 32 : i32
      %mul3A_54 = arith.muli %while3A_52, %mul3A_53 : i32
      %add3A_55 = arith.addi %select_n3A, %mul3A_54 : i32
      "tpu.region"() ({
        %run_scoped3A_112 = tpu.sem_alloc : memref<!tpu.dma_semaphore, #tpu.memory_space<semaphore_mem>>
        %dma_start3A_113 = arith.constant 0 : i32
        %dma_start3A_114 = tpu.memref_slice %arg3[%add3A_55, %dma_start3A_113] : memref<2560x128xi32, #tpu.memory_space<hbm>> -> memref<32x128xi32, #tpu.memory_space<hbm>>
        %dma_start3A_115 = arith.constant 0 : i32
        %dma_start3A_116 = tpu.memref_slice %arg3[%add3A_55, %dma_start3A_115] : memref<2560x128xi32, #tpu.memory_space<hbm>> -> memref<32x128xi32, #tpu.memory_space<hbm>>
        tpu.enqueue_dma source(%dma_start3A_116 : memref<32x128xi32, #tpu.memory_space<hbm>>) target(%arg6 : memref<32x128xi32, #tpu.memory_space<vmem>>) target_semaphore(%run_scoped3A_112 : memref<!tpu.dma_semaphore, #tpu.memory_space<semaphore_mem>>)
        %dma_wait3A_117 = arith.constant 0 : i32
        %dma_wait3A_118 = tpu.memref_slice %arg3[%add3A_55, %dma_wait3A_117] : memref<2560x128xi32, #tpu.memory_space<hbm>> -> memref<32x128xi32, #tpu.memory_space<hbm>>
        %dma_wait3A_119 = arith.constant 0 : i32
        %dma_wait3A_120 = tpu.memref_slice %arg3[%add3A_55, %dma_wait3A_119] : memref<2560x128xi32, #tpu.memory_space<hbm>> -> memref<32x128xi32, #tpu.memory_space<hbm>>
        tpu.wait_dma2 semaphore(%run_scoped3A_112 : memref<!tpu.dma_semaphore, #tpu.memory_space<semaphore_mem>>) src(%dma_wait3A_120 : memref<32x128xi32, #tpu.memory_space<hbm>>) dst(%arg6 : memref<32x128xi32, #tpu.memory_space<vmem>>)
        tpu.yield
      }) : () -> ()
      "tpu.region"() ({
        %run_scoped3A_112 = tpu.sem_alloc : memref<!tpu.dma_semaphore, #tpu.memory_space<semaphore_mem>>
        %dma_start3A_113 = arith.constant 0 : i32
        %dma_start3A_114 = tpu.memref_slice %arg4[%add3A_55, %dma_start3A_113] : memref<2560x128xi32, #tpu.memory_space<hbm>> -> memref<32x128xi32, #tpu.memory_space<hbm>>
        %dma_start3A_115 = arith.constant 0 : i32
        %dma_start3A_116 = tpu.memref_slice %arg4[%add3A_55, %dma_start3A_115] : memref<2560x128xi32, #tpu.memory_space<hbm>> -> memref<32x128xi32, #tpu.memory_space<hbm>>
        tpu.enqueue_dma source(%dma_start3A_116 : memref<32x128xi32, #tpu.memory_space<hbm>>) target(%arg7 : memref<32x128xi32, #tpu.memory_space<vmem>>) target_semaphore(%run_scoped3A_112 : memref<!tpu.dma_semaphore, #tpu.memory_space<semaphore_mem>>)
        %dma_wait3A_117 = arith.constant 0 : i32
        %dma_wait3A_118 = tpu.memref_slice %arg4[%add3A_55, %dma_wait3A_117] : memref<2560x128xi32, #tpu.memory_space<hbm>> -> memref<32x128xi32, #tpu.memory_space<hbm>>
        %dma_wait3A_119 = arith.constant 0 : i32
        %dma_wait3A_120 = tpu.memref_slice %arg4[%add3A_55, %dma_wait3A_119] : memref<2560x128xi32, #tpu.memory_space<hbm>> -> memref<32x128xi32, #tpu.memory_space<hbm>>
        tpu.wait_dma2 semaphore(%run_scoped3A_112 : memref<!tpu.dma_semaphore, #tpu.memory_space<semaphore_mem>>) src(%dma_wait3A_120 : memref<32x128xi32, #tpu.memory_space<hbm>>) dst(%arg7 : memref<32x128xi32, #tpu.memory_space<vmem>>)
        tpu.yield
      }) : () -> ()
      %dma_start3A = arith.constant 0 : i32
      %dma_start3A_56 = arith.constant 0 : i32
      %dma_start3A_57 = arith.constant 0 : i32
      %dma_start3A_58 = arith.constant 0 : i32
      %dma_start3A_59 = tpu.memref_slice %arg8[%dma_start3A_56, %dma_start3A_57, %dma_start3A_58] : memref<2x128x128xf32, #tpu.memory_space<vmem>> -> memref<1x128x128xf32, #tpu.memory_space<vmem>>
      %dma_start3A_60 = tpu.memref_squeeze %dma_start3A_59 : memref<1x128x128xf32, #tpu.memory_space<vmem>> -> memref<128x128xf32, #tpu.memory_space<vmem>>
      %dma_start3A_61 = arith.constant 0 : i32
      %dma_start3A_62 = tpu.memref_slice %arg6[%dma_start3A, %dma_start3A_61] : memref<32x128xi32, #tpu.memory_space<vmem>> -> memref<1x128xi32, #tpu.memory_space<vmem>>
      %dma_start3A_63 = tpu.memref_squeeze %dma_start3A_62 : memref<1x128xi32, #tpu.memory_space<vmem>> -> memref<128xi32, #tpu.memory_space<vmem>>
      %dma_start3A_64 = arith.constant 0 : i32
      %dma_start3A_65 = arith.constant 0 : i32
      %dma_start3A_66 = tpu.memref_slice %arg2[%dma_start3A_64, %dma_start3A_65] : memref<10000x128xf32, #tpu.memory_space<hbm>> -> memref<10000x128xf32, #tpu.memory_space<hbm>>
      tpu.enqueue_indirect_dma source(%dma_start3A_66 : memref<10000x128xf32, #tpu.memory_space<hbm>>) target(%dma_start3A_60 : memref<128x128xf32, #tpu.memory_space<vmem>>) offsets(%dma_start3A_63 : memref<128xi32, #tpu.memory_space<vmem>>) semaphore(%arg10 : memref<!tpu.dma_semaphore, #tpu.memory_space<semaphore_mem>>)
      %scan3A_67 = arith.constant 0 : i32
      %scan3A_68 = arith.constant 0 : i32
      %scan3A_69 = arith.constant 15 : i32
      %scan3A_70 = arith.addi %scan3A_68, %scan3A_69 : i32
      %scan3A_71 = arith.constant 1 : i32
      scf.for %scan3A_112 = %scan3A_68 to %scan3A_70 step %scan3A_71  : i32 {
        %mul3A_113 = arith.constant 2 : i32
        %mul3A_114 = arith.muli %mul3A_113, %scan3A_112 : i32
        %add3A_115 = arith.constant 1 : i32
        %add3A_116 = arith.addi %mul3A_114, %add3A_115 : i32
        %dma_start3A_117 = arith.constant 1 : i32
        %dma_start3A_118 = arith.constant 0 : i32
        %dma_start3A_119 = arith.constant 0 : i32
        %dma_start3A_120 = tpu.memref_slice %arg8[%dma_start3A_117, %dma_start3A_118, %dma_start3A_119] : memref<2x128x128xf32, #tpu.memory_space<vmem>> -> memref<1x128x128xf32, #tpu.memory_space<vmem>>
        %dma_start3A_121 = tpu.memref_squeeze %dma_start3A_120 : memref<1x128x128xf32, #tpu.memory_space<vmem>> -> memref<128x128xf32, #tpu.memory_space<vmem>>
        %dma_start3A_122 = arith.constant 0 : i32
        %dma_start3A_123 = tpu.memref_slice %arg6[%add3A_116, %dma_start3A_122] : memref<32x128xi32, #tpu.memory_space<vmem>> -> memref<1x128xi32, #tpu.memory_space<vmem>>
        %dma_start3A_124 = tpu.memref_squeeze %dma_start3A_123 : memref<1x128xi32, #tpu.memory_space<vmem>> -> memref<128xi32, #tpu.memory_space<vmem>>
        %dma_start3A_125 = arith.constant 0 : i32
        %dma_start3A_126 = arith.constant 0 : i32
        %dma_start3A_127 = tpu.memref_slice %arg2[%dma_start3A_125, %dma_start3A_126] : memref<10000x128xf32, #tpu.memory_space<hbm>> -> memref<10000x128xf32, #tpu.memory_space<hbm>>
        tpu.enqueue_indirect_dma source(%dma_start3A_127 : memref<10000x128xf32, #tpu.memory_space<hbm>>) target(%dma_start3A_121 : memref<128x128xf32, #tpu.memory_space<vmem>>) offsets(%dma_start3A_124 : memref<128xi32, #tpu.memory_space<vmem>>) semaphore(%arg11 : memref<!tpu.dma_semaphore, #tpu.memory_space<semaphore_mem>>)
        %dma_wait3A_128 = arith.constant 0 : i32
        %dma_wait3A_129 = arith.constant 0 : i32
        %dma_wait3A_130 = arith.constant 0 : i32
        %dma_wait3A_131 = tpu.memref_slice %arg8[%dma_wait3A_128, %dma_wait3A_129, %dma_wait3A_130] : memref<2x128x128xf32, #tpu.memory_space<vmem>> -> memref<1x128x128xf32, #tpu.memory_space<vmem>>
        %dma_wait3A_132 = tpu.memref_squeeze %dma_wait3A_131 : memref<1x128x128xf32, #tpu.memory_space<vmem>> -> memref<128x128xf32, #tpu.memory_space<vmem>>
        %dma_wait3A_133 = arith.constant 0 : i32
        %dma_wait3A_134 = tpu.memref_slice %arg6[%mul3A_114, %dma_wait3A_133] : memref<32x128xi32, #tpu.memory_space<vmem>> -> memref<1x128xi32, #tpu.memory_space<vmem>>
        %dma_wait3A_135 = tpu.memref_squeeze %dma_wait3A_134 : memref<1x128xi32, #tpu.memory_space<vmem>> -> memref<128xi32, #tpu.memory_space<vmem>>
        %dma_wait3A_136 = arith.constant 0 : i32
        %dma_wait3A_137 = arith.constant 0 : i32
        %dma_wait3A_138 = tpu.memref_slice %arg2[%dma_wait3A_136, %dma_wait3A_137] : memref<10000x128xf32, #tpu.memory_space<hbm>> -> memref<10000x128xf32, #tpu.memory_space<hbm>>
        tpu.wait_indirect_dma semaphore(%arg10 : memref<!tpu.dma_semaphore, #tpu.memory_space<semaphore_mem>>) src(%dma_wait3A_138 : memref<10000x128xf32, #tpu.memory_space<hbm>>) dst(%dma_wait3A_132 : memref<128x128xf32, #tpu.memory_space<vmem>>)
        %run_scoped3A_139 = arith.constant 0 : i32
        "tpu.region"() ({
          %run_scoped3A_167 = tpu.sem_alloc : memref<!tpu.dma_semaphore, #tpu.memory_space<semaphore_mem>>
          %dma_start3A_168 = arith.constant 0 : i32
          %dma_start3A_169 = arith.constant 0 : i32
          %dma_start3A_170 = tpu.memref_slice %arg8[%run_scoped3A_139, %dma_start3A_168, %dma_start3A_169] : memref<2x128x128xf32, #tpu.memory_space<vmem>> -> memref<1x128x128xf32, #tpu.memory_space<vmem>>
          %dma_start3A_171 = tpu.memref_squeeze %dma_start3A_170 : memref<1x128x128xf32, #tpu.memory_space<vmem>> -> memref<128x128xf32, #tpu.memory_space<vmem>>
          %dma_start3A_172 = arith.constant 0 : i32
          %dma_start3A_173 = tpu.memref_slice %arg7[%mul3A_114, %dma_start3A_172] : memref<32x128xi32, #tpu.memory_space<vmem>> -> memref<1x128xi32, #tpu.memory_space<vmem>>
          %dma_start3A_174 = tpu.memref_squeeze %dma_start3A_173 : memref<1x128xi32, #tpu.memory_space<vmem>> -> memref<128xi32, #tpu.memory_space<vmem>>
          %dma_start3A_175 = arith.constant 0 : i32
          %dma_start3A_176 = arith.constant 0 : i32
          %dma_start3A_177 = tpu.memref_slice %arg9[%dma_start3A_175, %dma_start3A_176] : memref<10240x128xf32, #tpu.memory_space<vmem_shared>> -> memref<10240x128xf32, #tpu.memory_space<vmem_shared>>
          tpu.enqueue_indirect_dma source(%dma_start3A_171 : memref<128x128xf32, #tpu.memory_space<vmem>>) target(%dma_start3A_177 : memref<10240x128xf32, #tpu.memory_space<vmem_shared>>) offsets(%dma_start3A_174 : memref<128xi32, #tpu.memory_space<vmem>>) semaphore(%run_scoped3A_167 : memref<!tpu.dma_semaphore, #tpu.memory_space<semaphore_mem>>) {add = true}
          %dma_wait3A_178 = arith.constant 0 : i32
          %dma_wait3A_179 = arith.constant 0 : i32
          %dma_wait3A_180 = tpu.memref_slice %arg8[%run_scoped3A_139, %dma_wait3A_178, %dma_wait3A_179] : memref<2x128x128xf32, #tpu.memory_space<vmem>> -> memref<1x128x128xf32, #tpu.memory_space<vmem>>
          %dma_wait3A_181 = tpu.memref_squeeze %dma_wait3A_180 : memref<1x128x128xf32, #tpu.memory_space<vmem>> -> memref<128x128xf32, #tpu.memory_space<vmem>>
          %dma_wait3A_182 = arith.constant 0 : i32
          %dma_wait3A_183 = tpu.memref_slice %arg7[%mul3A_114, %dma_wait3A_182] : memref<32x128xi32, #tpu.memory_space<vmem>> -> memref<1x128xi32, #tpu.memory_space<vmem>>
          %dma_wait3A_184 = tpu.memref_squeeze %dma_wait3A_183 : memref<1x128xi32, #tpu.memory_space<vmem>> -> memref<128xi32, #tpu.memory_space<vmem>>
          %dma_wait3A_185 = arith.constant 0 : i32
          %dma_wait3A_186 = arith.constant 0 : i32
          %dma_wait3A_187 = tpu.memref_slice %arg9[%dma_wait3A_185, %dma_wait3A_186] : memref<10240x128xf32, #tpu.memory_space<vmem_shared>> -> memref<10240x128xf32, #tpu.memory_space<vmem_shared>>
          tpu.wait_indirect_dma semaphore(%run_scoped3A_167 : memref<!tpu.dma_semaphore, #tpu.memory_space<semaphore_mem>>) src(%dma_wait3A_181 : memref<128x128xf32, #tpu.memory_space<vmem>>) dst(%dma_wait3A_187 : memref<10240x128xf32, #tpu.memory_space<vmem_shared>>)
          tpu.yield
        }) : () -> ()
        %add3A_140 = arith.constant 2 : i32
        %add3A_141 = arith.addi %mul3A_114, %add3A_140 : i32
        %dma_start3A_142 = arith.constant 0 : i32
        %dma_start3A_143 = arith.constant 0 : i32
        %dma_start3A_144 = arith.constant 0 : i32
        %dma_start3A_145 = tpu.memref_slice %arg8[%dma_start3A_142, %dma_start3A_143, %dma_start3A_144] : memref<2x128x128xf32, #tpu.memory_space<vmem>> -> memref<1x128x128xf32, #tpu.memory_space<vmem>>
        %dma_start3A_146 = tpu.memref_squeeze %dma_start3A_145 : memref<1x128x128xf32, #tpu.memory_space<vmem>> -> memref<128x128xf32, #tpu.memory_space<vmem>>
        %dma_start3A_147 = arith.constant 0 : i32
        %dma_start3A_148 = tpu.memref_slice %arg6[%add3A_141, %dma_start3A_147] : memref<32x128xi32, #tpu.memory_space<vmem>> -> memref<1x128xi32, #tpu.memory_space<vmem>>
        %dma_start3A_149 = tpu.memref_squeeze %dma_start3A_148 : memref<1x128xi32, #tpu.memory_space<vmem>> -> memref<128xi32, #tpu.memory_space<vmem>>
        %dma_start3A_150 = arith.constant 0 : i32
        %dma_start3A_151 = arith.constant 0 : i32
        %dma_start3A_152 = tpu.memref_slice %arg2[%dma_start3A_150, %dma_start3A_151] : memref<10000x128xf32, #tpu.memory_space<hbm>> -> memref<10000x128xf32, #tpu.memory_space<hbm>>
        tpu.enqueue_indirect_dma source(%dma_start3A_152 : memref<10000x128xf32, #tpu.memory_space<hbm>>) target(%dma_start3A_146 : memref<128x128xf32, #tpu.memory_space<vmem>>) offsets(%dma_start3A_149 : memref<128xi32, #tpu.memory_space<vmem>>) semaphore(%arg10 : memref<!tpu.dma_semaphore, #tpu.memory_space<semaphore_mem>>)
        %add3A_153 = arith.constant 1 : i32
        %add3A_154 = arith.addi %mul3A_114, %add3A_153 : i32
        %dma_wait3A_155 = arith.constant 1 : i32
        %dma_wait3A_156 = arith.constant 0 : i32
        %dma_wait3A_157 = arith.constant 0 : i32
        %dma_wait3A_158 = tpu.memref_slice %arg8[%dma_wait3A_155, %dma_wait3A_156, %dma_wait3A_157] : memref<2x128x128xf32, #tpu.memory_space<vmem>> -> memref<1x128x128xf32, #tpu.memory_space<vmem>>
        %dma_wait3A_159 = tpu.memref_squeeze %dma_wait3A_158 : memref<1x128x128xf32, #tpu.memory_space<vmem>> -> memref<128x128xf32, #tpu.memory_space<vmem>>
        %dma_wait3A_160 = arith.constant 0 : i32
        %dma_wait3A_161 = tpu.memref_slice %arg6[%add3A_154, %dma_wait3A_160] : memref<32x128xi32, #tpu.memory_space<vmem>> -> memref<1x128xi32, #tpu.memory_space<vmem>>
        %dma_wait3A_162 = tpu.memref_squeeze %dma_wait3A_161 : memref<1x128xi32, #tpu.memory_space<vmem>> -> memref<128xi32, #tpu.memory_space<vmem>>
        %dma_wait3A_163 = arith.constant 0 : i32
        %dma_wait3A_164 = arith.constant 0 : i32
        %dma_wait3A_165 = tpu.memref_slice %arg2[%dma_wait3A_163, %dma_wait3A_164] : memref<10000x128xf32, #tpu.memory_space<hbm>> -> memref<10000x128xf32, #tpu.memory_space<hbm>>
        tpu.wait_indirect_dma semaphore(%arg11 : memref<!tpu.dma_semaphore, #tpu.memory_space<semaphore_mem>>) src(%dma_wait3A_165 : memref<10000x128xf32, #tpu.memory_space<hbm>>) dst(%dma_wait3A_159 : memref<128x128xf32, #tpu.memory_space<vmem>>)
        %run_scoped3A_166 = arith.constant 1 : i32
        "tpu.region"() ({
          %run_scoped3A_167 = tpu.sem_alloc : memref<!tpu.dma_semaphore, #tpu.memory_space<semaphore_mem>>
          %dma_start3A_168 = arith.constant 0 : i32
          %dma_start3A_169 = arith.constant 0 : i32
          %dma_start3A_170 = tpu.memref_slice %arg8[%run_scoped3A_166, %dma_start3A_168, %dma_start3A_169] : memref<2x128x128xf32, #tpu.memory_space<vmem>> -> memref<1x128x128xf32, #tpu.memory_space<vmem>>
          %dma_start3A_171 = tpu.memref_squeeze %dma_start3A_170 : memref<1x128x128xf32, #tpu.memory_space<vmem>> -> memref<128x128xf32, #tpu.memory_space<vmem>>
          %dma_start3A_172 = arith.constant 0 : i32
          %dma_start3A_173 = tpu.memref_slice %arg7[%add3A_154, %dma_start3A_172] : memref<32x128xi32, #tpu.memory_space<vmem>> -> memref<1x128xi32, #tpu.memory_space<vmem>>
          %dma_start3A_174 = tpu.memref_squeeze %dma_start3A_173 : memref<1x128xi32, #tpu.memory_space<vmem>> -> memref<128xi32, #tpu.memory_space<vmem>>
          %dma_start3A_175 = arith.constant 0 : i32
          %dma_start3A_176 = arith.constant 0 : i32
          %dma_start3A_177 = tpu.memref_slice %arg9[%dma_start3A_175, %dma_start3A_176] : memref<10240x128xf32, #tpu.memory_space<vmem_shared>> -> memref<10240x128xf32, #tpu.memory_space<vmem_shared>>
          tpu.enqueue_indirect_dma source(%dma_start3A_171 : memref<128x128xf32, #tpu.memory_space<vmem>>) target(%dma_start3A_177 : memref<10240x128xf32, #tpu.memory_space<vmem_shared>>) offsets(%dma_start3A_174 : memref<128xi32, #tpu.memory_space<vmem>>) semaphore(%run_scoped3A_167 : memref<!tpu.dma_semaphore, #tpu.memory_space<semaphore_mem>>) {add = true}
          %dma_wait3A_178 = arith.constant 0 : i32
          %dma_wait3A_179 = arith.constant 0 : i32
          %dma_wait3A_180 = tpu.memref_slice %arg8[%run_scoped3A_166, %dma_wait3A_178, %dma_wait3A_179] : memref<2x128x128xf32, #tpu.memory_space<vmem>> -> memref<1x128x128xf32, #tpu.memory_space<vmem>>
          %dma_wait3A_181 = tpu.memref_squeeze %dma_wait3A_180 : memref<1x128x128xf32, #tpu.memory_space<vmem>> -> memref<128x128xf32, #tpu.memory_space<vmem>>
          %dma_wait3A_182 = arith.constant 0 : i32
          %dma_wait3A_183 = tpu.memref_slice %arg7[%add3A_154, %dma_wait3A_182] : memref<32x128xi32, #tpu.memory_space<vmem>> -> memref<1x128xi32, #tpu.memory_space<vmem>>
          %dma_wait3A_184 = tpu.memref_squeeze %dma_wait3A_183 : memref<1x128xi32, #tpu.memory_space<vmem>> -> memref<128xi32, #tpu.memory_space<vmem>>
          %dma_wait3A_185 = arith.constant 0 : i32
          %dma_wait3A_186 = arith.constant 0 : i32
          %dma_wait3A_187 = tpu.memref_slice %arg9[%dma_wait3A_185, %dma_wait3A_186] : memref<10240x128xf32, #tpu.memory_space<vmem_shared>> -> memref<10240x128xf32, #tpu.memory_space<vmem_shared>>
          tpu.wait_indirect_dma semaphore(%run_scoped3A_167 : memref<!tpu.dma_semaphore, #tpu.memory_space<semaphore_mem>>) src(%dma_wait3A_181 : memref<128x128xf32, #tpu.memory_space<vmem>>) dst(%dma_wait3A_187 : memref<10240x128xf32, #tpu.memory_space<vmem_shared>>)
          tpu.yield
        }) : () -> ()
      }
      %scan3A_72 = arith.constant 15 : i32
      %dma_start3A_73 = arith.constant 31 : i32
      %dma_start3A_74 = arith.constant 1 : i32
      %dma_start3A_75 = arith.constant 0 : i32
      %dma_start3A_76 = arith.constant 0 : i32
      %dma_start3A_77 = tpu.memref_slice %arg8[%dma_start3A_74, %dma_start3A_75, %dma_start3A_76] : memref<2x128x128xf32, #tpu.memory_space<vmem>> -> memref<1x128x128xf32, #tpu.memory_space<vmem>>
      %dma_start3A_78 = tpu.memref_squeeze %dma_start3A_77 : memref<1x128x128xf32, #tpu.memory_space<vmem>> -> memref<128x128xf32, #tpu.memory_space<vmem>>
      %dma_start3A_79 = arith.constant 0 : i32
      %dma_start3A_80 = tpu.memref_slice %arg6[%dma_start3A_73, %dma_start3A_79] : memref<32x128xi32, #tpu.memory_space<vmem>> -> memref<1x128xi32, #tpu.memory_space<vmem>>
      %dma_start3A_81 = tpu.memref_squeeze %dma_start3A_80 : memref<1x128xi32, #tpu.memory_space<vmem>> -> memref<128xi32, #tpu.memory_space<vmem>>
      %dma_start3A_82 = arith.constant 0 : i32
      %dma_start3A_83 = arith.constant 0 : i32
      %dma_start3A_84 = tpu.memref_slice %arg2[%dma_start3A_82, %dma_start3A_83] : memref<10000x128xf32, #tpu.memory_space<hbm>> -> memref<10000x128xf32, #tpu.memory_space<hbm>>
      tpu.enqueue_indirect_dma source(%dma_start3A_84 : memref<10000x128xf32, #tpu.memory_space<hbm>>) target(%dma_start3A_78 : memref<128x128xf32, #tpu.memory_space<vmem>>) offsets(%dma_start3A_81 : memref<128xi32, #tpu.memory_space<vmem>>) semaphore(%arg11 : memref<!tpu.dma_semaphore, #tpu.memory_space<semaphore_mem>>)
      %dma_wait3A = arith.constant 30 : i32
      %dma_wait3A_85 = arith.constant 0 : i32
      %dma_wait3A_86 = arith.constant 0 : i32
      %dma_wait3A_87 = arith.constant 0 : i32
      %dma_wait3A_88 = tpu.memref_slice %arg8[%dma_wait3A_85, %dma_wait3A_86, %dma_wait3A_87] : memref<2x128x128xf32, #tpu.memory_space<vmem>> -> memref<1x128x128xf32, #tpu.memory_space<vmem>>
      %dma_wait3A_89 = tpu.memref_squeeze %dma_wait3A_88 : memref<1x128x128xf32, #tpu.memory_space<vmem>> -> memref<128x128xf32, #tpu.memory_space<vmem>>
      %dma_wait3A_90 = arith.constant 0 : i32
      %dma_wait3A_91 = tpu.memref_slice %arg6[%dma_wait3A, %dma_wait3A_90] : memref<32x128xi32, #tpu.memory_space<vmem>> -> memref<1x128xi32, #tpu.memory_space<vmem>>
      %dma_wait3A_92 = tpu.memref_squeeze %dma_wait3A_91 : memref<1x128xi32, #tpu.memory_space<vmem>> -> memref<128xi32, #tpu.memory_space<vmem>>
      %dma_wait3A_93 = arith.constant 0 : i32
      %dma_wait3A_94 = arith.constant 0 : i32
      %dma_wait3A_95 = tpu.memref_slice %arg2[%dma_wait3A_93, %dma_wait3A_94] : memref<10000x128xf32, #tpu.memory_space<hbm>> -> memref<10000x128xf32, #tpu.memory_space<hbm>>
      tpu.wait_indirect_dma semaphore(%arg10 : memref<!tpu.dma_semaphore, #tpu.memory_space<semaphore_mem>>) src(%dma_wait3A_95 : memref<10000x128xf32, #tpu.memory_space<hbm>>) dst(%dma_wait3A_89 : memref<128x128xf32, #tpu.memory_space<vmem>>)
      %run_scoped3A_96 = arith.constant 0 : i32
      %run_scoped3A_97 = arith.constant 30 : i32
      "tpu.region"() ({
        %run_scoped3A_112 = tpu.sem_alloc : memref<!tpu.dma_semaphore, #tpu.memory_space<semaphore_mem>>
        %dma_start3A_113 = arith.constant 0 : i32
        %dma_start3A_114 = arith.constant 0 : i32
        %dma_start3A_115 = tpu.memref_slice %arg8[%run_scoped3A_96, %dma_start3A_113, %dma_start3A_114] : memref<2x128x128xf32, #tpu.memory_space<vmem>> -> memref<1x128x128xf32, #tpu.memory_space<vmem>>
        %dma_start3A_116 = tpu.memref_squeeze %dma_start3A_115 : memref<1x128x128xf32, #tpu.memory_space<vmem>> -> memref<128x128xf32, #tpu.memory_space<vmem>>
        %dma_start3A_117 = arith.constant 0 : i32
        %dma_start3A_118 = tpu.memref_slice %arg7[%run_scoped3A_97, %dma_start3A_117] : memref<32x128xi32, #tpu.memory_space<vmem>> -> memref<1x128xi32, #tpu.memory_space<vmem>>
        %dma_start3A_119 = tpu.memref_squeeze %dma_start3A_118 : memref<1x128xi32, #tpu.memory_space<vmem>> -> memref<128xi32, #tpu.memory_space<vmem>>
        %dma_start3A_120 = arith.constant 0 : i32
        %dma_start3A_121 = arith.constant 0 : i32
        %dma_start3A_122 = tpu.memref_slice %arg9[%dma_start3A_120, %dma_start3A_121] : memref<10240x128xf32, #tpu.memory_space<vmem_shared>> -> memref<10240x128xf32, #tpu.memory_space<vmem_shared>>
        tpu.enqueue_indirect_dma source(%dma_start3A_116 : memref<128x128xf32, #tpu.memory_space<vmem>>) target(%dma_start3A_122 : memref<10240x128xf32, #tpu.memory_space<vmem_shared>>) offsets(%dma_start3A_119 : memref<128xi32, #tpu.memory_space<vmem>>) semaphore(%run_scoped3A_112 : memref<!tpu.dma_semaphore, #tpu.memory_space<semaphore_mem>>) {add = true}
        %dma_wait3A_123 = arith.constant 0 : i32
        %dma_wait3A_124 = arith.constant 0 : i32
        %dma_wait3A_125 = tpu.memref_slice %arg8[%run_scoped3A_96, %dma_wait3A_123, %dma_wait3A_124] : memref<2x128x128xf32, #tpu.memory_space<vmem>> -> memref<1x128x128xf32, #tpu.memory_space<vmem>>
        %dma_wait3A_126 = tpu.memref_squeeze %dma_wait3A_125 : memref<1x128x128xf32, #tpu.memory_space<vmem>> -> memref<128x128xf32, #tpu.memory_space<vmem>>
        %dma_wait3A_127 = arith.constant 0 : i32
        %dma_wait3A_128 = tpu.memref_slice %arg7[%run_scoped3A_97, %dma_wait3A_127] : memref<32x128xi32, #tpu.memory_space<vmem>> -> memref<1x128xi32, #tpu.memory_space<vmem>>
        %dma_wait3A_129 = tpu.memref_squeeze %dma_wait3A_128 : memref<1x128xi32, #tpu.memory_space<vmem>> -> memref<128xi32, #tpu.memory_space<vmem>>
        %dma_wait3A_130 = arith.constant 0 : i32
        %dma_wait3A_131 = arith.constant 0 : i32
        %dma_wait3A_132 = tpu.memref_slice %arg9[%dma_wait3A_130, %dma_wait3A_131] : memref<10240x128xf32, #tpu.memory_space<vmem_shared>> -> memref<10240x128xf32, #tpu.memory_space<vmem_shared>>
        tpu.wait_indirect_dma semaphore(%run_scoped3A_112 : memref<!tpu.dma_semaphore, #tpu.memory_space<semaphore_mem>>) src(%dma_wait3A_126 : memref<128x128xf32, #tpu.memory_space<vmem>>) dst(%dma_wait3A_132 : memref<10240x128xf32, #tpu.memory_space<vmem_shared>>)
        tpu.yield
      }) : () -> ()
      %dma_wait3A_98 = arith.constant 31 : i32
      %dma_wait3A_99 = arith.constant 1 : i32
      %dma_wait3A_100 = arith.constant 0 : i32
      %dma_wait3A_101 = arith.constant 0 : i32
      %dma_wait3A_102 = tpu.memref_slice %arg8[%dma_wait3A_99, %dma_wait3A_100, %dma_wait3A_101] : memref<2x128x128xf32, #tpu.memory_space<vmem>> -> memref<1x128x128xf32, #tpu.memory_space<vmem>>
      %dma_wait3A_103 = tpu.memref_squeeze %dma_wait3A_102 : memref<1x128x128xf32, #tpu.memory_space<vmem>> -> memref<128x128xf32, #tpu.memory_space<vmem>>
      %dma_wait3A_104 = arith.constant 0 : i32
      %dma_wait3A_105 = tpu.memref_slice %arg6[%dma_wait3A_98, %dma_wait3A_104] : memref<32x128xi32, #tpu.memory_space<vmem>> -> memref<1x128xi32, #tpu.memory_space<vmem>>
      %dma_wait3A_106 = tpu.memref_squeeze %dma_wait3A_105 : memref<1x128xi32, #tpu.memory_space<vmem>> -> memref<128xi32, #tpu.memory_space<vmem>>
      %dma_wait3A_107 = arith.constant 0 : i32
      %dma_wait3A_108 = arith.constant 0 : i32
      %dma_wait3A_109 = tpu.memref_slice %arg2[%dma_wait3A_107, %dma_wait3A_108] : memref<10000x128xf32, #tpu.memory_space<hbm>> -> memref<10000x128xf32, #tpu.memory_space<hbm>>
      tpu.wait_indirect_dma semaphore(%arg11 : memref<!tpu.dma_semaphore, #tpu.memory_space<semaphore_mem>>) src(%dma_wait3A_109 : memref<10000x128xf32, #tpu.memory_space<hbm>>) dst(%dma_wait3A_103 : memref<128x128xf32, #tpu.memory_space<vmem>>)
      %run_scoped3A_110 = arith.constant 1 : i32
      %run_scoped3A_111 = arith.constant 31 : i32
      "tpu.region"() ({
        %run_scoped3A_112 = tpu.sem_alloc : memref<!tpu.dma_semaphore, #tpu.memory_space<semaphore_mem>>
        %dma_start3A_113 = arith.constant 0 : i32
        %dma_start3A_114 = arith.constant 0 : i32
        %dma_start3A_115 = tpu.memref_slice %arg8[%run_scoped3A_110, %dma_start3A_113, %dma_start3A_114] : memref<2x128x128xf32, #tpu.memory_space<vmem>> -> memref<1x128x128xf32, #tpu.memory_space<vmem>>
        %dma_start3A_116 = tpu.memref_squeeze %dma_start3A_115 : memref<1x128x128xf32, #tpu.memory_space<vmem>> -> memref<128x128xf32, #tpu.memory_space<vmem>>
        %dma_start3A_117 = arith.constant 0 : i32
        %dma_start3A_118 = tpu.memref_slice %arg7[%run_scoped3A_111, %dma_start3A_117] : memref<32x128xi32, #tpu.memory_space<vmem>> -> memref<1x128xi32, #tpu.memory_space<vmem>>
        %dma_start3A_119 = tpu.memref_squeeze %dma_start3A_118 : memref<1x128xi32, #tpu.memory_space<vmem>> -> memref<128xi32, #tpu.memory_space<vmem>>
        %dma_start3A_120 = arith.constant 0 : i32
        %dma_start3A_121 = arith.constant 0 : i32
        %dma_start3A_122 = tpu.memref_slice %arg9[%dma_start3A_120, %dma_start3A_121] : memref<10240x128xf32, #tpu.memory_space<vmem_shared>> -> memref<10240x128xf32, #tpu.memory_space<vmem_shared>>
        tpu.enqueue_indirect_dma source(%dma_start3A_116 : memref<128x128xf32, #tpu.memory_space<vmem>>) target(%dma_start3A_122 : memref<10240x128xf32, #tpu.memory_space<vmem_shared>>) offsets(%dma_start3A_119 : memref<128xi32, #tpu.memory_space<vmem>>) semaphore(%run_scoped3A_112 : memref<!tpu.dma_semaphore, #tpu.memory_space<semaphore_mem>>) {add = true}
        %dma_wait3A_123 = arith.constant 0 : i32
        %dma_wait3A_124 = arith.constant 0 : i32
        %dma_wait3A_125 = tpu.memref_slice %arg8[%run_scoped3A_110, %dma_wait3A_123, %dma_wait3A_124] : memref<2x128x128xf32, #tpu.memory_space<vmem>> -> memref<1x128x128xf32, #tpu.memory_space<vmem>>
        %dma_wait3A_126 = tpu.memref_squeeze %dma_wait3A_125 : memref<1x128x128xf32, #tpu.memory_space<vmem>> -> memref<128x128xf32, #tpu.memory_space<vmem>>
        %dma_wait3A_127 = arith.constant 0 : i32
        %dma_wait3A_128 = tpu.memref_slice %arg7[%run_scoped3A_111, %dma_wait3A_127] : memref<32x128xi32, #tpu.memory_space<vmem>> -> memref<1x128xi32, #tpu.memory_space<vmem>>
        %dma_wait3A_129 = tpu.memref_squeeze %dma_wait3A_128 : memref<1x128xi32, #tpu.memory_space<vmem>> -> memref<128xi32, #tpu.memory_space<vmem>>
        %dma_wait3A_130 = arith.constant 0 : i32
        %dma_wait3A_131 = arith.constant 0 : i32
        %dma_wait3A_132 = tpu.memref_slice %arg9[%dma_wait3A_130, %dma_wait3A_131] : memref<10240x128xf32, #tpu.memory_space<vmem_shared>> -> memref<10240x128xf32, #tpu.memory_space<vmem_shared>>
        tpu.wait_indirect_dma semaphore(%run_scoped3A_112 : memref<!tpu.dma_semaphore, #tpu.memory_space<semaphore_mem>>) src(%dma_wait3A_126 : memref<128x128xf32, #tpu.memory_space<vmem>>) dst(%dma_wait3A_132 : memref<10240x128xf32, #tpu.memory_space<vmem_shared>>)
        tpu.yield
      }) : () -> ()
    }
    %barrier3A_47 = arith.constant 0 : index
    tpu.barrier barrier_id(%barrier3A_47)
    %mul3A_48 = arith.constant 640 : i32
    %mul3A_49 = arith.muli %arg1, %mul3A_48 : i32
    %mul3A_50 = arith.constant 640 : i32
    %mul3A_51 = arith.muli %arg1, %mul3A_50 : i32
    "tpu.region"() ({
      %run_scoped3A_52 = tpu.sem_alloc : memref<!tpu.dma_semaphore, #tpu.memory_space<semaphore_mem>>
      %dma_start3A = arith.constant 0 : i32
      %dma_start3A_53 = tpu.memref_slice %arg5[%arg0, %mul3A_51, %dma_start3A] : memref<2x10240x128xf32, #tpu.memory_space<hbm>> -> memref<1x640x128xf32, #tpu.memory_space<hbm>>
      %dma_start3A_54 = tpu.memref_squeeze %dma_start3A_53 : memref<1x640x128xf32, #tpu.memory_space<hbm>> -> memref<640x128xf32, #tpu.memory_space<hbm>>
      %dma_start3A_55 = arith.constant 0 : i32
      %dma_start3A_56 = tpu.memref_slice %arg9[%mul3A_49, %dma_start3A_55] : memref<10240x128xf32, #tpu.memory_space<vmem_shared>> -> memref<640x128xf32, #tpu.memory_space<vmem_shared>>
      tpu.enqueue_dma source(%dma_start3A_56 : memref<640x128xf32, #tpu.memory_space<vmem_shared>>) target(%dma_start3A_54 : memref<640x128xf32, #tpu.memory_space<hbm>>) target_semaphore(%run_scoped3A_52 : memref<!tpu.dma_semaphore, #tpu.memory_space<semaphore_mem>>)
      %dma_wait3A = arith.constant 0 : i32
      %dma_wait3A_57 = tpu.memref_slice %arg5[%arg0, %mul3A_51, %dma_wait3A] : memref<2x10240x128xf32, #tpu.memory_space<hbm>> -> memref<1x640x128xf32, #tpu.memory_space<hbm>>
      %dma_wait3A_58 = tpu.memref_squeeze %dma_wait3A_57 : memref<1x640x128xf32, #tpu.memory_space<hbm>> -> memref<640x128xf32, #tpu.memory_space<hbm>>
      %dma_wait3A_59 = arith.constant 0 : i32
      %dma_wait3A_60 = tpu.memref_slice %arg9[%mul3A_49, %dma_wait3A_59] : memref<10240x128xf32, #tpu.memory_space<vmem_shared>> -> memref<640x128xf32, #tpu.memory_space<vmem_shared>>
      tpu.wait_dma2 semaphore(%run_scoped3A_52 : memref<!tpu.dma_semaphore, #tpu.memory_space<semaphore_mem>>) src(%dma_wait3A_60 : memref<640x128xf32, #tpu.memory_space<vmem_shared>>) dst(%dma_wait3A_58 : memref<640x128xf32, #tpu.memory_space<hbm>>)
      tpu.yield
    }) : () -> ()
    return
  }
}

module attributes {stable_mosaic.version = 14 : i64} {
  func.func @_pre_body(%arg0: i32, %arg1: memref<1000x128xf32, #tpu.memory_space<vmem>>, %arg2: memref<1000x1xf32, #tpu.memory_space<vmem>>, %arg3: memref<128x128xf32, #tpu.memory_space<vmem>>, %arg4: memref<1x128xf32, #tpu.memory_space<vmem>>, %arg5: memref<128x128xf32, #tpu.memory_space<vmem>>, %arg6: memref<1x128xf32, #tpu.memory_space<vmem>>, %arg7: memref<1000x128xf32, #tpu.memory_space<vmem>>, %arg8: memref<1000x128xf32, #tpu.memory_space<vmem>>) attributes {dimension_semantics = [#tpu.dimension_semantics<arbitrary>], iteration_bounds = array<i64: 10>, scalar_prefetch = 0 : i64, scratch_operands = 0 : i64, tpu.core_type = #tpu.core_type<tc>, window_params = [{transform_indices = @transform_0, window_bounds = array<i64: 1000, 128>}, {transform_indices = @transform_1, window_bounds = array<i64: 1000, 1>}, {pipeline_mode = #tpu.pipeline_mode<synchronous>, transform_indices = @transform_2, window_bounds = array<i64: 128, 128>}, {pipeline_mode = #tpu.pipeline_mode<synchronous>, transform_indices = @transform_3, window_bounds = array<i64: 1, 128>}, {pipeline_mode = #tpu.pipeline_mode<synchronous>, transform_indices = @transform_4, window_bounds = array<i64: 128, 128>}, {pipeline_mode = #tpu.pipeline_mode<synchronous>, transform_indices = @transform_5, window_bounds = array<i64: 1, 128>}, {transform_indices = @transform_6, window_bounds = array<i64: 1000, 128>}, {transform_indices = @transform_7, window_bounds = array<i64: 1000, 128>}]} {
    %get3A = arith.constant 0 : index
    %get3A_0 = arith.constant 0 : index
    %get3A_1 = vector.load %arg1[%get3A, %get3A_0] : memref<1000x128xf32, #tpu.memory_space<vmem>>, vector<1000x128xf32>
    %get3A_2 = arith.constant 0 : index
    %get3A_3 = arith.constant 0 : index
    %get3A_4 = vector.load %arg2[%get3A_2, %get3A_3] : memref<1000x1xf32, #tpu.memory_space<vmem>>, vector<1000x1xf32>
    %get3A_5 = arith.constant 0 : index
    %get3A_6 = arith.constant 0 : index
    %get3A_7 = vector.load %arg3[%get3A_5, %get3A_6] : memref<128x128xf32, #tpu.memory_space<vmem>>, vector<128x128xf32>
    %dot_general3A = arith.constant dense<0.000000e+00> : vector<1000x128xf32>
    %dot_general3A_8 = tpu.matmul %get3A_1, %get3A_7, %dot_general3A {dimension_numbers = #tpu.dot_dimension_numbers<[1], [0], [0], [1], [0, 0, 1, 1], [], []>, transpose_lhs_hint = false} : vector<1000x128xf32>, vector<128x128xf32>, vector<1000x128xf32> -> vector<1000x128xf32>
    %get3A_9 = arith.constant 0 : index
    %get3A_10 = arith.constant 0 : index
    %get3A_11 = vector.load %arg4[%get3A_9, %get3A_10] : memref<1x128xf32, #tpu.memory_space<vmem>>, vector<1x128xf32>
    %mul3A = vector.broadcast %get3A_4 : vector<1000x1xf32> to vector<1000x128xf32>
    %mul3A_12 = vector.broadcast %get3A_11 : vector<1x128xf32> to vector<1000x128xf32>
    %mul3A_13 = arith.mulf %mul3A, %mul3A_12 : vector<1000x128xf32>
    %add3A = arith.addf %dot_general3A_8, %mul3A_13 : vector<1000x128xf32>
    %swap3A = arith.constant 0 : index
    %swap3A_14 = arith.constant 0 : index
    %swap3A_15 = vector.load %arg7[%swap3A, %swap3A_14] : memref<1000x128xf32, #tpu.memory_space<vmem>>, vector<1000x128xf32>
    tpu.vector_store %arg7[%swap3A, %swap3A_14], %add3A {strides = array<i32>} : memref<1000x128xf32, #tpu.memory_space<vmem>>, vector<1000x128xf32>,
    %get3A_16 = arith.constant 0 : index
    %get3A_17 = arith.constant 0 : index
    %get3A_18 = vector.load %arg5[%get3A_16, %get3A_17] : memref<128x128xf32, #tpu.memory_space<vmem>>, vector<128x128xf32>
    %dot_general3A_19 = arith.constant dense<0.000000e+00> : vector<1000x128xf32>
    %dot_general3A_20 = tpu.matmul %get3A_1, %get3A_18, %dot_general3A_19 {dimension_numbers = #tpu.dot_dimension_numbers<[1], [0], [0], [1], [0, 0, 1, 1], [], []>, transpose_lhs_hint = false} : vector<1000x128xf32>, vector<128x128xf32>, vector<1000x128xf32> -> vector<1000x128xf32>
    %get3A_21 = arith.constant 0 : index
    %get3A_22 = arith.constant 0 : index
    %get3A_23 = vector.load %arg6[%get3A_21, %get3A_22] : memref<1x128xf32, #tpu.memory_space<vmem>>, vector<1x128xf32>
    %mul3A_24 = vector.broadcast %get3A_4 : vector<1000x1xf32> to vector<1000x128xf32>
    %mul3A_25 = vector.broadcast %get3A_23 : vector<1x128xf32> to vector<1000x128xf32>
    %mul3A_26 = arith.mulf %mul3A_24, %mul3A_25 : vector<1000x128xf32>
    %add3A_27 = arith.addf %dot_general3A_20, %mul3A_26 : vector<1000x128xf32>
    %swap3A_28 = arith.constant 0 : index
    %swap3A_29 = arith.constant 0 : index
    %swap3A_30 = vector.load %arg8[%swap3A_28, %swap3A_29] : memref<1000x128xf32, #tpu.memory_space<vmem>>, vector<1000x128xf32>
    tpu.vector_store %arg8[%swap3A_28, %swap3A_29], %add3A_27 {strides = array<i32>} : memref<1000x128xf32, #tpu.memory_space<vmem>>, vector<1000x128xf32>,
    return
  }
  func.func @transform_0(%arg0: i32) -> (i32, i32) {
    %c0_i32 = arith.constant 0 : i32
    %c0_i32_0 = arith.constant 0 : i32
    return %arg0, %c0_i32 : i32, i32
  }
  func.func @transform_1(%arg0: i32) -> (i32, i32) {
    %c0_i32 = arith.constant 0 : i32
    %c0_i32_0 = arith.constant 0 : i32
    return %arg0, %c0_i32 : i32, i32
  }
  func.func @transform_2(%arg0: i32) -> (i32, i32) {
    %c0_i32 = arith.constant 0 : i32
    %c0_i32_0 = arith.constant 0 : i32
    %c0_i32_1 = arith.constant 0 : i32
    return %c0_i32, %c0_i32_0 : i32, i32
  }
  func.func @transform_3(%arg0: i32) -> (i32, i32) {
    %c0_i32 = arith.constant 0 : i32
    %c0_i32_0 = arith.constant 0 : i32
    %c0_i32_1 = arith.constant 0 : i32
    return %c0_i32, %c0_i32_0 : i32, i32
  }
  func.func @transform_4(%arg0: i32) -> (i32, i32) {
    %c0_i32 = arith.constant 0 : i32
    %c0_i32_0 = arith.constant 0 : i32
    %c0_i32_1 = arith.constant 0 : i32
    return %c0_i32, %c0_i32_0 : i32, i32
  }
  func.func @transform_5(%arg0: i32) -> (i32, i32) {
    %c0_i32 = arith.constant 0 : i32
    %c0_i32_0 = arith.constant 0 : i32
    %c0_i32_1 = arith.constant 0 : i32
    return %c0_i32, %c0_i32_0 : i32, i32
  }
  func.func @transform_6(%arg0: i32) -> (i32, i32) {
    %c0_i32 = arith.constant 0 : i32
    %c0_i32_0 = arith.constant 0 : i32
    return %arg0, %c0_i32 : i32, i32
  }
  func.func @transform_7(%arg0: i32) -> (i32, i32) {
    %c0_i32 = arith.constant 0 : i32
    %c0_i32_0 = arith.constant 0 : i32
    return %arg0, %c0_i32 : i32, i32
  }
}

module attributes {stable_mosaic.version = 14 : i64} {
  func.func @_post_body(%arg0: i32, %arg1: memref<1000x128xf32, #tpu.memory_space<vmem>>, %arg2: memref<1000x128xf32, #tpu.memory_space<vmem>>, %arg3: memref<2x1000x128xf32, #tpu.memory_space<vmem>>, %arg4: memref<1x128xf32, #tpu.memory_space<vmem>>, %arg5: memref<128x128xf32, #tpu.memory_space<vmem>>, %arg6: memref<1x128xf32, #tpu.memory_space<vmem>>, %arg7: memref<128x128xf32, #tpu.memory_space<vmem>>, %arg8: memref<1x128xf32, #tpu.memory_space<vmem>>, %arg9: memref<128x128xf32, #tpu.memory_space<vmem>>, %arg10: memref<1x128xf32, #tpu.memory_space<vmem>>, %arg11: memref<1x128xf32, #tpu.memory_space<vmem>>, %arg12: memref<1x1xf32, #tpu.memory_space<vmem>>, %arg13: memref<1000x1xf32, #tpu.memory_space<vmem>>) attributes {dimension_semantics = [#tpu.dimension_semantics<arbitrary>], iteration_bounds = array<i64: 10>, scalar_prefetch = 0 : i64, scratch_operands = 0 : i64, tpu.core_type = #tpu.core_type<tc>, window_params = [{transform_indices = @transform_0, window_bounds = array<i64: 1000, 128>}, {transform_indices = @transform_1, window_bounds = array<i64: 1000, 128>}, {transform_indices = @transform_2, window_bounds = array<i64: 2, 1000, 128>}, {pipeline_mode = #tpu.pipeline_mode<synchronous>, transform_indices = @transform_3, window_bounds = array<i64: 1, 128>}, {pipeline_mode = #tpu.pipeline_mode<synchronous>, transform_indices = @transform_4, window_bounds = array<i64: 128, 128>}, {pipeline_mode = #tpu.pipeline_mode<synchronous>, transform_indices = @transform_5, window_bounds = array<i64: 1, 128>}, {pipeline_mode = #tpu.pipeline_mode<synchronous>, transform_indices = @transform_6, window_bounds = array<i64: 128, 128>}, {pipeline_mode = #tpu.pipeline_mode<synchronous>, transform_indices = @transform_7, window_bounds = array<i64: 1, 128>}, {pipeline_mode = #tpu.pipeline_mode<synchronous>, transform_indices = @transform_8, window_bounds = array<i64: 128, 128>}, {pipeline_mode = #tpu.pipeline_mode<synchronous>, transform_indices = @transform_9, window_bounds = array<i64: 1, 128>}, {pipeline_mode = #tpu.pipeline_mode<synchronous>, transform_indices = @transform_10, window_bounds = array<i64: 1, 128>}, {pipeline_mode = #tpu.pipeline_mode<synchronous>, transform_indices = @transform_11, window_bounds = array<i64: 1, 1>}, {transform_indices = @transform_12, window_bounds = array<i64: 1000, 1>}]} {
    %get3A = arith.constant 0 : index
    %get3A_0 = arith.constant 0 : index
    %get3A_1 = vector.load %arg1[%get3A, %get3A_0] : memref<1000x128xf32, #tpu.memory_space<vmem>>, vector<1000x128xf32>
    %get3A_2 = arith.constant 0 : index
    %get3A_3 = arith.constant 0 : index
    %get3A_4 = arith.constant 0 : index
    %get3A_5 = vector.load %arg3[%get3A_2, %get3A_3, %get3A_4] : memref<2x1000x128xf32, #tpu.memory_space<vmem>>, vector<1x1000x128xf32>
    %get3A_6 = vector.shape_cast %get3A_5 : vector<1x1000x128xf32> to vector<1000x128xf32>
    %add3A = arith.addf %get3A_1, %get3A_6 : vector<1000x128xf32>
    %get3A_7 = arith.constant 1 : index
    %get3A_8 = arith.constant 0 : index
    %get3A_9 = arith.constant 0 : index
    %get3A_10 = vector.load %arg3[%get3A_7, %get3A_8, %get3A_9] : memref<2x1000x128xf32, #tpu.memory_space<vmem>>, vector<1x1000x128xf32>
    %get3A_11 = vector.shape_cast %get3A_10 : vector<1x1000x128xf32> to vector<1000x128xf32>
    %add3A_12 = arith.addf %add3A, %get3A_11 : vector<1000x128xf32>
    %get3A_13 = arith.constant 0 : index
    %get3A_14 = arith.constant 0 : index
    %get3A_15 = vector.load %arg4[%get3A_13, %get3A_14] : memref<1x128xf32, #tpu.memory_space<vmem>>, vector<1x128xf32>
    %add3A_16 = vector.broadcast %get3A_15 : vector<1x128xf32> to vector<1000x128xf32>
    %add3A_17 = arith.addf %add3A_12, %add3A_16 : vector<1000x128xf32>
    %max3A = arith.constant 0.000000e+00 : f32
    %max3A_18 = vector.broadcast %max3A : f32 to vector<1000x128xf32>
    %max3A_19 = arith.maximumf %add3A_17, %max3A_18 : vector<1000x128xf32>
    %get3A_20 = arith.constant 0 : index
    %get3A_21 = arith.constant 0 : index
    %get3A_22 = vector.load %arg5[%get3A_20, %get3A_21] : memref<128x128xf32, #tpu.memory_space<vmem>>, vector<128x128xf32>
    %dot_general3A = arith.constant dense<0.000000e+00> : vector<1000x128xf32>
    %dot_general3A_23 = tpu.matmul %max3A_19, %get3A_22, %dot_general3A {dimension_numbers = #tpu.dot_dimension_numbers<[1], [0], [0], [1], [0, 0, 1, 1], [], []>, transpose_lhs_hint = false} : vector<1000x128xf32>, vector<128x128xf32>, vector<1000x128xf32> -> vector<1000x128xf32>
    %get3A_24 = arith.constant 0 : index
    %get3A_25 = arith.constant 0 : index
    %get3A_26 = vector.load %arg6[%get3A_24, %get3A_25] : memref<1x128xf32, #tpu.memory_space<vmem>>, vector<1x128xf32>
    %add3A_27 = vector.broadcast %get3A_26 : vector<1x128xf32> to vector<1000x128xf32>
    %add3A_28 = arith.addf %dot_general3A_23, %add3A_27 : vector<1000x128xf32>
    %tanh3A = math.tanh %add3A_28 : vector<1000x128xf32>
    %max3A_29 = arith.constant 0.000000e+00 : f32
    %max3A_30 = vector.broadcast %max3A_29 : f32 to vector<1000x128xf32>
    %max3A_31 = arith.maximumf %tanh3A, %max3A_30 : vector<1000x128xf32>
    %get3A_32 = arith.constant 0 : index
    %get3A_33 = arith.constant 0 : index
    %get3A_34 = vector.load %arg7[%get3A_32, %get3A_33] : memref<128x128xf32, #tpu.memory_space<vmem>>, vector<128x128xf32>
    %dot_general3A_35 = arith.constant dense<0.000000e+00> : vector<1000x128xf32>
    %dot_general3A_36 = tpu.matmul %max3A_31, %get3A_34, %dot_general3A_35 {dimension_numbers = #tpu.dot_dimension_numbers<[1], [0], [0], [1], [0, 0, 1, 1], [], []>, transpose_lhs_hint = false} : vector<1000x128xf32>, vector<128x128xf32>, vector<1000x128xf32> -> vector<1000x128xf32>
    %get3A_37 = arith.constant 0 : index
    %get3A_38 = arith.constant 0 : index
    %get3A_39 = vector.load %arg2[%get3A_37, %get3A_38] : memref<1000x128xf32, #tpu.memory_space<vmem>>, vector<1000x128xf32>
    %add3A_40 = arith.addf %dot_general3A_36, %get3A_39 : vector<1000x128xf32>
    %get3A_41 = arith.constant 0 : index
    %get3A_42 = arith.constant 0 : index
    %get3A_43 = vector.load %arg8[%get3A_41, %get3A_42] : memref<1x128xf32, #tpu.memory_space<vmem>>, vector<1x128xf32>
    %add3A_44 = vector.broadcast %get3A_43 : vector<1x128xf32> to vector<1000x128xf32>
    %add3A_45 = arith.addf %add3A_40, %add3A_44 : vector<1000x128xf32>
    %ge3A = arith.constant 0.000000e+00 : f32
    %ge3A_46 = vector.broadcast %ge3A : f32 to vector<1000x128xf32>
    %ge3A_47 = arith.cmpf oge, %add3A_45, %ge3A_46 : vector<1000x128xf32>
    %mul3A = arith.constant 2.000000e-01 : f32
    %mul3A_48 = vector.broadcast %mul3A : f32 to vector<1000x128xf32>
    %mul3A_49 = arith.mulf %mul3A_48, %add3A_45 : vector<1000x128xf32>
    %select_n3A = arith.select %ge3A_47, %add3A_45, %mul3A_49 : vector<1000x128xi1>, vector<1000x128xf32>
    %get3A_50 = arith.constant 0 : index
    %get3A_51 = arith.constant 0 : index
    %get3A_52 = vector.load %arg9[%get3A_50, %get3A_51] : memref<128x128xf32, #tpu.memory_space<vmem>>, vector<128x128xf32>
    %dot_general3A_53 = arith.constant dense<0.000000e+00> : vector<1000x128xf32>
    %dot_general3A_54 = tpu.matmul %select_n3A, %get3A_52, %dot_general3A_53 {dimension_numbers = #tpu.dot_dimension_numbers<[1], [0], [0], [1], [0, 0, 1, 1], [], []>, transpose_lhs_hint = false} : vector<1000x128xf32>, vector<128x128xf32>, vector<1000x128xf32> -> vector<1000x128xf32>
    %get3A_55 = arith.constant 0 : index
    %get3A_56 = arith.constant 0 : index
    %get3A_57 = vector.load %arg10[%get3A_55, %get3A_56] : memref<1x128xf32, #tpu.memory_space<vmem>>, vector<1x128xf32>
    %add3A_58 = vector.broadcast %get3A_57 : vector<1x128xf32> to vector<1000x128xf32>
    %add3A_59 = arith.addf %dot_general3A_54, %add3A_58 : vector<1000x128xf32>
    %ge3A_60 = arith.constant 0.000000e+00 : f32
    %ge3A_61 = vector.broadcast %ge3A_60 : f32 to vector<1000x128xf32>
    %ge3A_62 = arith.cmpf oge, %add3A_59, %ge3A_61 : vector<1000x128xf32>
    %mul3A_63 = arith.constant 2.000000e-01 : f32
    %mul3A_64 = vector.broadcast %mul3A_63 : f32 to vector<1000x128xf32>
    %mul3A_65 = arith.mulf %mul3A_64, %add3A_59 : vector<1000x128xf32>
    %select_n3A_66 = arith.select %ge3A_62, %add3A_59, %mul3A_65 : vector<1000x128xi1>, vector<1000x128xf32>
    %get3A_67 = arith.constant 0 : index
    %get3A_68 = arith.constant 0 : index
    %get3A_69 = vector.load %arg11[%get3A_67, %get3A_68] : memref<1x128xf32, #tpu.memory_space<vmem>>, vector<1x128xf32>
    %mul3A_70 = vector.broadcast %get3A_69 : vector<1x128xf32> to vector<1000x128xf32>
    %mul3A_71 = arith.mulf %select_n3A_66, %mul3A_70 : vector<1000x128xf32>
    %reduce_sum3A = arith.constant dense<0.000000e+00> : vector<1000xf32>
    %reduce_sum3A_72 = vector.multi_reduction <add>, %mul3A_71, %reduce_sum3A [1] : vector<1000x128xf32> to vector<1000xf32>
    %broadcast_in_dim3A = vector.shape_cast %reduce_sum3A_72 : vector<1000xf32> to vector<1000x1xf32>
    %get3A_73 = arith.constant 0 : index
    %get3A_74 = arith.constant 0 : index
    %get3A_75 = vector.load %arg12[%get3A_73, %get3A_74] : memref<1x1xf32, #tpu.memory_space<vmem>>, vector<1x1xf32>
    %add3A_76 = vector.broadcast %get3A_75 : vector<1x1xf32> to vector<1000x1xf32>
    %add3A_77 = arith.addf %broadcast_in_dim3A, %add3A_76 : vector<1000x1xf32>
    %swap3A = arith.constant 0 : index
    %swap3A_78 = arith.constant 0 : index
    %swap3A_79 = vector.load %arg13[%swap3A, %swap3A_78] : memref<1000x1xf32, #tpu.memory_space<vmem>>, vector<1000x1xf32>
    tpu.vector_store %arg13[%swap3A, %swap3A_78], %add3A_77 {strides = array<i32>} : memref<1000x1xf32, #tpu.memory_space<vmem>>, vector<1000x1xf32>,
    return
  }
  func.func @transform_0(%arg0: i32) -> (i32, i32) {
    %c0_i32 = arith.constant 0 : i32
    %c0_i32_0 = arith.constant 0 : i32
    return %arg0, %c0_i32 : i32, i32
  }
  func.func @transform_1(%arg0: i32) -> (i32, i32) {
    %c0_i32 = arith.constant 0 : i32
    %c0_i32_0 = arith.constant 0 : i32
    return %arg0, %c0_i32 : i32, i32
  }
  func.func @transform_2(%arg0: i32) -> (i32, i32, i32) {
    %c0_i32 = arith.constant 0 : i32
    %c0_i32_0 = arith.constant 0 : i32
    %c0_i32_1 = arith.constant 0 : i32
    return %c0_i32, %arg0, %c0_i32_0 : i32, i32, i32
  }
  func.func @transform_3(%arg0: i32) -> (i32, i32) {
    %c0_i32 = arith.constant 0 : i32
    %c0_i32_0 = arith.constant 0 : i32
    %c0_i32_1 = arith.constant 0 : i32
    return %c0_i32, %c0_i32_0 : i32, i32
  }
  func.func @transform_4(%arg0: i32) -> (i32, i32) {
    %c0_i32 = arith.constant 0 : i32
    %c0_i32_0 = arith.constant 0 : i32
    %c0_i32_1 = arith.constant 0 : i32
    return %c0_i32, %c0_i32_0 : i32, i32
  }
  func.func @transform_5(%arg0: i32) -> (i32, i32) {
    %c0_i32 = arith.constant 0 : i32
    %c0_i32_0 = arith.constant 0 : i32
    %c0_i32_1 = arith.constant 0 : i32
    return %c0_i32, %c0_i32_0 : i32, i32
  }
  func.func @transform_6(%arg0: i32) -> (i32, i32) {
    %c0_i32 = arith.constant 0 : i32
    %c0_i32_0 = arith.constant 0 : i32
    %c0_i32_1 = arith.constant 0 : i32
    return %c0_i32, %c0_i32_0 : i32, i32
  }
  func.func @transform_7(%arg0: i32) -> (i32, i32) {
    %c0_i32 = arith.constant 0 : i32
    %c0_i32_0 = arith.constant 0 : i32
    %c0_i32_1 = arith.constant 0 : i32
    return %c0_i32, %c0_i32_0 : i32, i32
  }
  func.func @transform_8(%arg0: i32) -> (i32, i32) {
    %c0_i32 = arith.constant 0 : i32
    %c0_i32_0 = arith.constant 0 : i32
    %c0_i32_1 = arith.constant 0 : i32
    return %c0_i32, %c0_i32_0 : i32, i32
  }
  func.func @transform_9(%arg0: i32) -> (i32, i32) {
    %c0_i32 = arith.constant 0 : i32
    %c0_i32_0 = arith.constant 0 : i32
    %c0_i32_1 = arith.constant 0 : i32
    return %c0_i32, %c0_i32_0 : i32, i32
  }
  func.func @transform_10(%arg0: i32) -> (i32, i32) {
    %c0_i32 = arith.constant 0 : i32
    %c0_i32_0 = arith.constant 0 : i32
    %c0_i32_1 = arith.constant 0 : i32
    return %c0_i32, %c0_i32_0 : i32, i32
  }
  func.func @transform_11(%arg0: i32) -> (i32, i32) {
    %c0_i32 = arith.constant 0 : i32
    %c0_i32_0 = arith.constant 0 : i32
    %c0_i32_1 = arith.constant 0 : i32
    return %c0_i32, %c0_i32_0 : i32, i32
  }
  func.func @transform_12(%arg0: i32) -> (i32, i32) {
    %c0_i32 = arith.constant 0 : i32
    %c0_i32_0 = arith.constant 0 : i32
    return %arg0, %c0_i32 : i32, i32
  }
}

</mosaic_0001>

<sc_bundles>
// kernel: kernel.5.cloned.1.call-start
scs
__scs_entry_jumppad:
0x0: {  	(pc) =	sbr.rel $0x88, $3  }
0x1: {  	(tag) =	ssettag $0x0;
	lr =	simm.s32 $0x1  }
0x2: {  	[smem:$0x3F94] =	sst lr;
	_ =	strace $0xD0000000  }
0x3: {  	_ = 	snop  }
0x4: {  	_ = 	snop  }
0x5: {  	_ = 	snop  }
0x6: {  	_ = 	snop  }
0x7: {  	_ = 	snop  }
__scs_overlays_trampoline_lowered:
0x8: {  	[smem:$0x3FA3] =	sst s0  }
0x9: {  	[smem:$0x3FA4] =	sst s1  }
0xa: {  	[smem:$0x3FA5] =	sst s2  }
0xb: {  	[smem:$0x3FA6] =	sst s3  }
0xc: {  	[smem:$0x3FA7] =	sst s4  }
0xd: {  	[smem:$0x3FA8] =	sst s5  }
0xe: {  	[smem:$0x3FA9] =	sst s6  }
0xf: {  	[smem:$0x3FAA] =	sst s7  }
0x10: {  	[smem:$0x3FAB] =	sst s8  }
0x11: {  	[smem:$0x3FAC] =	sst s9;
	s0 =	simm.s32 @!p0 $0x0  }
0x12: {  	s1 =	sld [smem:$0x3F92];
	s0 =	simm.s32 @p0 $0x1  }
0x13: {  	[smem:$0x3FAD] =	sst s0;
	s0 =	simm.s32 @!p1 $0x0  }
0x14: {  	s2 =	sld [smem:$0x3F91];
	s0 =	simm.s32 @p1 $0x1  }
0x15: {  	[smem:$0x3FAE] =	sst s0;
	s0 =	simm.s32 @!p2 $0x0  }
0x16: {  	s3 =	sld [smem:$0x3FDB];
	s0 =	simm.s32 @p2 $0x1  }
0x17: {  	s4 =	simm.s32 $0x1BF5;
	[smem:$0x3FB0] =	sst s0  }
0x18: {  	s0 =	sld [smem:$0x3F93];
	_ =	swait.ge [sflag:s4], $0x0  }
0x19: {  	s7 =	sld [smem:$0x3F94]  }
0x1a: {  	s8 =	sadd.s32 $0xFFFFE003, lr  }
0x1b: {  	s9 =	sadd.s32 $0xFFFFFEF7, lr;
	s5 =	simm.s32 $0xFFFFFFFF;
	p2 =	slt.u32 s8, $0xFFFFF086  }
0x1c: {  	p1 =	slt.u32 s9, $0xF7A;
	s5 =	simm.s32 @!p2 $0x0  }
0x1d: {  	s5 =	simm.s32 @p1 $0x1;
	p0 =	seq.s32 s7, s2  }
0x1e: {  	s7 =	smul.u32 @!p0 $0xF7A, s2;
	p2 =	seq.s32 @!p0 s5, $0x0  }
0x1f: {  	s9 =	smul.u32 $0xF7A, s1;
	s8 =	simm.s32 @!p0 $0x1BF5;
	p2 =	por !p2, p0  }
0x20: {  	[sflag:s8] =	ssyncset.s32 @!p0 $0xFFFFF086;
	s6 =	sadd.s32 @!p0 s3, s7;
	s7 =	simm.s32 @!p0 $0x108  }
0x21: {  	s3 =	sadd.s32 s3, s9;
	s6 =	sadd.s32 @!p0 $0x88, s6;
	s7 =	simm.s32 @p2 $0x1082  }
0x22: {  	[simem:s7], [sflag:s8] =	dma.local @!p0 [hbm:s6], $0xF7A  }
0x23: {  	s9 =	sor.u32 $0xD0000000, s2;
	s6 =	simm.s32 $0x108;
	_ =	swait.ge @!p0 [sflag:s8], $0x0  }
0x24: {  	s3 =	sadd.s32 $0x88, s3;
	s6 =	simm.s32 @!p1 $0x1082;
	[sflag:s4] =	ssyncset.s32 $0xFFFFF086  }
0x25: {  	[simem:s6], [sflag:s4] =	dma.local [hbm:s3], $0xF7A  }
0x26: {  	[smem:$0x3F94] =	sst s1;
	(tag) =	ssettag s2;
	_ =	strace s9  }
0x27: {  	s1 =	sld [smem:$0x3FA4]  }
0x28: {  	s2 =	sld [smem:$0x3FA5]  }
0x29: {  	s4 =	sld [smem:$0x3FA7]  }
0x2a: {  	p0 =	seq.s32 s5, $0x0;
	s5 =	sld [smem:$0x3FA8]  }
0x2b: {  	s6 =	sld [smem:$0x3FA9]  }
0x2c: {  	s7 =	sld [smem:$0x3FAA]  }
0x2d: {  	s3 =	simm.s32 $0x108;
	s8 =	sld [smem:$0x3FAB]  }
0x2e: {  	s3 =	simm.s32 @!p0 $0x1082;
	s9 =	sld [smem:$0x3FAC]  }
0x2f: {  	lr =	sadd.s32 s0, s3;
	s0 =	sld [smem:$0x3FA3]  }
0x30: {  	s3 =	sld [smem:$0x3FA6]  }
0x31: {  	[smem:$0x3FAF] =	sst s10  }
0x32: {  	s10 =	sld [smem:$0x3FAD];
	_ =	sdelay $0x3  }
0x33: {  	p0 =	seq.s32 s10, $0x1;
	s10 =	sld [smem:$0x3FAF];
	_ =	sdelay $0x3  }
0x34: {  	[smem:$0x3FAF] =	sst s10  }
0x35: {  	s10 =	sld [smem:$0x3FAE];
	_ =	sdelay $0x3  }
0x36: {  	p1 =	seq.s32 s10, $0x1;
	s10 =	sld [smem:$0x3FAF];
	_ =	sdelay $0x3  }
0x37: {  	[smem:$0x3FAF] =	sst s10  }
0x38: {  	s10 =	sld [smem:$0x3FB0]  }
0x39: {  	_ = 	snop;
	(pc) =	sbr.ind lr, $3  }
0x3a: {  	_ = 	snop  }
0x3b: {  	_ = 	snop  }
0x3c: {  	p2 =	seq.s32 s10, $0x1;
	s10 =	sld [smem:$0x3FAF]  }
0x3d: {  	_ =	shalt  }
0x3e: {  	_ =	shalt  }
0x3f: {  	_ =	shalt  }
0x40: {  	_ =	shalt  }
0x41: {  	_ =	shalt  }
0x42: {  	_ =	shalt  }
0x43: {  	_ =	shalt  }
0x44: {  	_ =	shalt  }
0x45: {  	_ =	shalt  }
0x46: {  	_ =	shalt  }
0x47: {  	_ =	shalt  }
0x48: {  	_ =	shalt  }
0x49: {  	_ =	shalt  }
0x4a: {  	_ =	shalt  }
0x4b: {  	_ =	shalt  }
0x4c: {  	_ =	shalt  }
0x4d: {  	_ =	shalt  }
0x4e: {  	_ =	shalt  }
0x4f: {  	_ =	shalt  }
0x50: {  	_ =	shalt  }
0x51: {  	_ =	shalt  }
0x52: {  	_ =	shalt  }
0x53: {  	_ =	shalt  }
0x54: {  	_ =	shalt  }
0x55: {  	_ =	shalt  }
0x56: {  	_ =	shalt  }
0x57: {  	_ =	shalt  }
0x58: {  	_ =	shalt  }
0x59: {  	_ =	shalt  }
0x5a: {  	_ =	shalt  }
0x5b: {  	_ =	shalt  }
0x5c: {  	_ =	shalt  }
0x5d: {  	_ =	shalt  }
0x5e: {  	_ =	shalt  }
0x5f: {  	_ =	shalt  }
0x60: {  	_ =	shalt  }
0x61: {  	_ =	shalt  }
0x62: {  	_ =	shalt  }
0x63: {  	_ =	shalt  }
0x64: {  	_ =	shalt  }
0x65: {  	_ =	shalt  }
0x66: {  	_ =	shalt  }
0x67: {  	_ =	shalt  }
0x68: {  	_ =	shalt  }
0x69: {  	_ =	shalt  }
0x6a: {  	_ =	shalt  }
0x6b: {  	_ =	shalt  }
0x6c: {  	_ =	shalt  }
0x6d: {  	_ =	shalt  }
0x6e: {  	_ =	shalt  }
0x6f: {  	_ =	shalt  }
0x70: {  	_ =	shalt  }
0x71: {  	_ =	shalt  }
0x72: {  	_ =	shalt  }
0x73: {  	_ =	shalt  }
0x74: {  	_ =	shalt  }
0x75: {  	_ =	shalt  }
0x76: {  	_ =	shalt  }
0x77: {  	_ =	shalt  }
0x78: {  	_ =	shalt  }
0x79: {  	_ =	shalt  }
0x7a: {  	_ =	shalt  }
0x7b: {  	_ =	shalt  }
0x7c: {  	_ =	shalt  }
0x7d: {  	_ =	shalt  }
0x7e: {  	_ =	shalt  }
0x7f: {  	_ =	shalt  }
0x80: {  	_ =	shalt  }
0x81: {  	_ =	shalt  }
0x82: {  	_ =	shalt  }
0x83: {  	_ =	shalt  }
0x84: {  	_ =	shalt  }
0x85: {  	_ =	shalt  }
0x86: {  	_ =	shalt  }
0x87: {  	_ =	shalt  }
.Lfunc_end0:
.L_simem_size_0:
called_computation_lowered:
.L_overlay_start_0:
0x88: {  	s2 =	sld [smem:$0x3FD9]  }
0x89: {  	s3 =	sld [smem:$0x3FFE];
	_ =	sdelay $0x1  }
0x8a: {  	s1 =	srdreg.scid  }
0x8b: {  	s0 =	sand.u32 $0x1, s1  }
0x8c: {  	s16 =	sshll.u32 s0, $0xA;
	s2 =	sadd.s32 s3, s2  }
0x8d: {  	s2 =	sadd.s32 s2, s16  }
0x8e: {  	[smem:$0x3FBB] =	sst s2  }
0x8f: {  	_ = 	snop  }
0x90: {  	(tm) =	ssettm $0x1  }
0x91: {  	s17 =	sld [smem:$0x3FFB];
	_ =	sdelay $0x3  }
0x92: {  	_ =	strace s17  }
0x93: {  	s2 =	sld [smem:$0x3FFC];
	_ =	sdelay $0x3  }
0x94: {  	_ =	strace s2  }
0x95: {  	s2 =	sld [smem:$0x3FFD];
	_ =	sdelay $0x3  }
0x96: {  	_ =	strace s2  }
0x97: {  	_ =	strace $0x8FFFFFFF  }
0x98: {  	s18 =	sld [smem:$0x3FDB];
	_ =	sdelay $0x1  }
0x99: {  	s19 =	simm.s32 $_scs_section_size  }
0x9a: {  	s4 =	simm.s32 $_size__tile_overlayer_lowered;
	s5 =	simm.s32 $_tile_overlayer_lowered  }
0x9b: {  	s22 =	simm.s32 $0x1BFF;
	s21 =	sshll.u32 s5, $0x1;
	s2 =	sadd.s32 s19, s18  }
0x9c: {  	s6 =	simm.s32 $0x0;
	s20 =	sshll.u32 s4, $0x1;
	s4 =	sadd.s32 s21, s2  }
0x9d: {  	[timem:s6], [sflag:s22] =	dma.local [hbm:s4], s20  }
0x9e: {  	_ =	swait.ge [sflag:s22], s20  }
0x9f: {  	s3 =	ssub.s32 $0x0, s20;
	[sflag:s22] =	ssyncset.done $0x0  }
0xa0: {  	[sflag:s22] =	ssyncadd.s32 s3;
	_ =	sdelay $0x1  }
0xa1: {  	s23 =	simm.s32 $0x1B8B  }
0xa2: {  	_ =	swait.ge [sflag:s23], $0x1  }
0xa3: {  	[sflag:s23] =	ssyncset.done $0x0  }
0xa4: {  	s25 =	simm.s32 $0x1B8E;
	s24 =	sld [smem:$0x3FFE];
	[sflag:s23] =	ssyncadd.s32 $0xFFFFFFFF  }
0xa5: {  	s26 =	simm.s32 $execute0_lowered;
	[smem:$0x3FD2] =	sst s25  }
0xa6: {  	s4 =	sshll.u32 s26, $0x1;
	_ =	strace $0x80000046;
	[dreg:$0x1] =	wrdreg $0xFFFFFFFF  }
0xa7: {  	s28 =	simm.s32 $_size_execute0_lowered;
	s2 =	sadd.s32 s2, s4;
	[dreg:$0x0] =	wrdreg $0x0  }
0xa8: {  	s4 =	sshll.u32 s28, $0x1;
	[dreg:$0x2] =	wrdreg s2  }
0xa9: {  	[dreg:$0x3] =	wrdreg s4  }
0xaa: {  	[dreg:$0x4] =	wrdreg $0xC0  }
0xab: {  	_ =	task [dreg:s6], $0x5FFFF  }
0xac: {  	[dreg:$0x1] =	wrdreg $0xFFFFFFFF  }
0xad: {  	[dreg:$0x0] =	wrdreg $0x60  }
0xae: {  	[dreg:$0x2] =	wrdreg s24  }
0xaf: {  	[dreg:$0x3] =	wrdreg $0xA0000  }
0xb0: {  	[dreg:$0x4] =	wrdreg $0x9  }
0xb1: {  	_ =	task.clear_ibuf [dreg:s6], $0x5FFFF;
	_ =	strace $0x90000046  }
0xb2: {  	s29 =	simm.s32 $0x9;
	_ =	strace $0x80000048  }
0xb3: {  	_ =	swait.ge [sflag:s29], $0x1  }
0xb4: {  	[sflag:s29] =	ssyncadd.s32 $0xFFFFFFFF  }
0xb5: {  	_ =	strace $0x90000048  }
0xb6: {  	_ =	sfence  }
0xb7: {  	s30 =	sld [smem:$0x0];
	_ =	sdelay $0x2  }
0xb8: {  	s31 =	sshll.u32 s1, $0xD;
	s1 =	sshrl.u32 s1, $0x2  }
0xb9: {  	s3 =	sand.u32 $0x4000, s31;
	s1 =	sadd.s32 s1, s30  }
0xba: {  	s0 =	sor.u32 s3, s0;
	s1 =	sshll.u32 s1, $0x11  }
0xbb: {  	s0 =	sor.u32 s1, s0  }
0xbc: {  	s0 =	sadd.s32 $0x8F2B, s0  }
0xbd: {  	[sflag:s0] =	ssyncadd.remote.s32 $0x1  }
0xbe: {  	_ =	sfence.sel $0xFFFF  }
0xbf: {  	[dreg:$0x0] =	wrdreg $0xFFFFFFFF;
	(pc) =	sbr.abs _section_cstart, $3  }
0xc0: {  	[dreg:$0x1] =	wrdreg $0xFFFFFFFF  }
0xc1: {  	_ =	task.clear_ibuf [dreg:s6], $0x2FFFF;
	_ =	strace $0x9FFFFFFF  }
0xc2: {  	(tm) =	ssettm $0x7FFFFFFF  }
0xc3: {  	_ =	shalt  }
tec
execute0_lowered:
.L_overlay_start_1:
0x0: {  	(tag) =	ssettag $0x1  }
0x1: {  	s7 =	rddreg [dreg:$0x0]  }
0x2: {  	s1 =	rddreg [dreg:$0x1];
	s3 =	simm.s32 $0x0;
	s2 =	srdreg.scid  }
0x3: {  	s16 =	simm.s32 $0x3;
	s17 =	simm.s32 $0x1000;
	s18 =	simm.s32 $0x80  }
0x4: {  	s19 =	simm.s32 $0x6000;
	s20 =	simm.s32 $0x1;
	s21 =	simm.s32 $0x2  }
0x5: {  	s22 =	simm.s32 $0xF80;
	s23 =	simm.s32 $0x1F00;
	s24 =	simm.s32 $0x1F80  }
0x6: {  	[smem:$0x7FF] =	sst s3;
	s10 =	sand.u32 $0x1, s2;
	s2 =	stileid.u32  }
0x7: {  	s4 =	sadd.s32 $0x16400, s7;
	s5 =	sadd.s32 $0xC400, s7;
	s8 =	smul.u32 $0x140000, s10  }
0x8: {  	s6 =	sadd.s32 $0x2400, s7;
	_ =	strace $0x80000047;
	s9 =	smul.u32 $0x14000, s2  }
0x9: {  	s11 =	smul.u32 $0x50000, s2;
	s30 =	ssub.s32 $0x2, s10;
	s31 =	sshll.u32 s2, $0xE  }
0xa: {  	p0 =	seq.s32 s10, $0x1;
	s10 =	sshll.u32 s2, $0xC;
	s12 =	sshrl.u32 s30, $0x1  }
0xb: {  	s15 =	sadd.s32 $0x10000, s31;
	s8 =	sadd.s32 s9, s8;
	s11 =	sshrl.u32 s11, $0x2  }
0xc: {  	s14 =	ssub.s32 s30, s12;
	s10 =	smov.u32 @p0 s15;
	s8 =	sshrl.u32 s8, $0x3  }
0xd: {  	s15 =	simm.s32 $0x2000;
	s13 =	sadd.s32 s8, s7;
	s7 =	sadd.s32 s11, s1  }
0xe: {  	s14 =	smax.u32 s14, $0x1;
	s8 =	sadd.s32 $0x4000, s7;
	s9 =	sadd.s32 $0x8000, s7  }
0xf: {  	v0 =	vimm.f32 $0.0e+00;
	s11 =	sadd.s32 $0xC000, s7;
	s12 =	sadd.s32 $0x10000, s7;
	s13 =	sadd.s32 $0x3D600, s13  }
.LBB2_1:
0x10: {  	s25 =	simm.s32 $0x0;
	s26 =	simm.s32 $0x200  }
.LBB2_2:
0x11: {  	p1 =	sne.s32 s26, $0xFE00;
	[tilespmem:s25+$0x2070] =	vst v0  }
0x12: {  	[tilespmem:s25+$0x2000] =	vst v0  }
0x13: {  	[tilespmem:s25+$0x2010] =	vst v0  }
.Ltmp0:
0x14: {  	[tilespmem:s25+$0x2020] =	vst v0;
	(pc) =	sbr.rel @p1 .LBB2_2-.Ltmp0, $4  }
0x15: {  	[tilespmem:s25+$0x2030] =	vst v0  }
0x16: {  	[tilespmem:s25+$0x2040] =	vst v0  }
0x17: {  	[tilespmem:s25+$0x2050] =	vst v0  }
0x18: {  	[tilespmem:s25+$0x2060] =	vst v0;
	s25 =	sshra.s32 s26, $0x2;
	s26 =	sadd.s32 $0x200, s26  }
0x19: {  	[tilespmem:s25+$0x2070] =	vst v0  }
0x1a: {  	[tilespmem:s25+$0x2000] =	vst v0  }
0x1b: {  	[tilespmem:s25+$0x2010] =	vst v0  }
0x1c: {  	[tilespmem:s25+$0x2020] =	vst v0  }
0x1d: {  	[tilespmem:s25+$0x2030] =	vst v0  }
0x1e: {  	[tilespmem:s25+$0x2040] =	vst v0  }
0x1f: {  	[tilespmem:s25+$0x2050] =	vst v0  }
0x20: {  	[tilespmem:s25+$0x2060] =	vst v0  }
0x21: {  	[spmem:s7] =	stream.linear.scatter [tilespmem:s15], [sflag:$0x3], $0x4000, $0x38;
	[tilespmem:$0x1E000] =	vst v63  }
0x22: {  	_ =	swait.ge [sflag:s16], $0x4000  }
0x23: {  	[sflag:s16] =	ssyncset.done $0x0  }
0x24: {  	[sflag:s16] =	ssyncadd.s32 $0xFFFFC000  }
0x25: {  	[spmem:s8] =	stream.linear.scatter [tilespmem:s15], [sflag:$0x3], $0x4000, $0x38;
	[tilespmem:$0x1E000] =	vst v63  }
0x26: {  	_ =	swait.ge [sflag:s16], $0x4000  }
0x27: {  	[sflag:s16] =	ssyncset.done $0x0  }
0x28: {  	[sflag:s16] =	ssyncadd.s32 $0xFFFFC000  }
0x29: {  	[spmem:s9] =	stream.linear.scatter [tilespmem:s15], [sflag:$0x3], $0x4000, $0x38;
	[tilespmem:$0x1E000] =	vst v63  }
0x2a: {  	_ =	swait.ge [sflag:s16], $0x4000  }
0x2b: {  	[sflag:s16] =	ssyncset.done $0x0  }
0x2c: {  	[sflag:s16] =	ssyncadd.s32 $0xFFFFC000  }
0x2d: {  	[spmem:s11] =	stream.linear.scatter [tilespmem:s15], [sflag:$0x3], $0x4000, $0x38;
	[tilespmem:$0x1E000] =	vst v63  }
0x2e: {  	_ =	swait.ge [sflag:s16], $0x4000  }
0x2f: {  	[sflag:s16] =	ssyncset.done $0x0  }
0x30: {  	[sflag:s16] =	ssyncadd.s32 $0xFFFFC000  }
0x31: {  	[spmem:s12] =	stream.linear.scatter [tilespmem:s15], [sflag:$0x3], $0x4000, $0x38;
	[tilespmem:$0x1E000] =	vst v63  }
0x32: {  	_ =	swait.ge [sflag:s16], $0x4000  }
0x33: {  	[sflag:s16] =	ssyncset.done $0x0  }
0x34: {  	[sflag:s16] =	ssyncadd.s32 $0xFFFFC000  }
0x35: {  	s25 =	simm.s32 $0x0;
	s26 =	simm.s32 $0x0;
	[bflag:$0x0] =	sbarrier.arrive $0xFFFF  }
.LBB2_4:
0x36: {  	s28 =	sshll.u32 s26, $0xC  }
0x37: {  	s28 =	sadd.s32 s10, s28  }
0x38: {  	s28 =	sshrl.u32 s28, $0x3  }
0x39: {  	s29 =	sadd.s32 s5, s28  }
0x3a: {  	[tilespmem:s25], [sflag:$0x3] =	stream.linear.gather [hbm4b:s29+s25], $0x1000, $0x38;
	[tilespmem:$0x1E000] =	vst v63  }
0x3b: {  	_ =	swait.ge [sflag:s16], $0x1000  }
0x3c: {  	[sflag:s16] =	ssyncset.done $0x0  }
0x3d: {  	s28 =	sadd.s32 s6, s28;
	[sflag:s16] =	ssyncadd.s32 $0xFFFFF000  }
0x3e: {  	[tilespmem:s17], [sflag:$0x3] =	stream.linear.gather [hbm4b:s28+s25], $0x1000, $0x38;
	[tilespmem:$0x1E000] =	vst v63  }
0x3f: {  	_ =	swait.ge [sflag:s16], $0x1000  }
0x40: {  	[sflag:s16] =	ssyncset.done $0x0  }
0x41: {  	[sflag:s16] =	ssyncadd.s32 $0xFFFFF000  }
0x42: {  	[tilespmem:s15], [sflag:$0x1] =	stream.indirect.gather [hbm4b:s4+s18], $0x80, s25, s18, $0xb8;
	[tilespmem:$0x1E000] =	vst v63  }
0x43: {  	s28 =	simm.s32 $0x80  }
0x44: {  	[tilespmem:s19], [sflag:$0x2] =	stream.indirect.gather [hbm4b:s4+s18], $0x80, s28, s18, $0xb8;
	[tilespmem:$0x1E000] =	vst v63  }
0x45: {  	_ =	swait.ge [sflag:s20], $0x4000  }
0x46: {  	[sflag:s20] =	ssyncset.done $0x0  }
0x47: {  	s28 =	simm.s32 $0x1000;
	[sflag:s20] =	ssyncadd.s32 $0xFFFFC000  }
0x48: {  	[spmem:s1] =	stream.indirect.scatter.add.f32 [tilespmem:s15], [sflag:$0x3], $0x80, s28, s18, $0xb8;
	[tilespmem:$0x1E000] =	vst v63  }
0x49: {  	_ =	swait.ge [sflag:s16], $0x4000  }
0x4a: {  	[sflag:s16] =	ssyncset.done $0x0  }
0x4b: {  	s28 =	simm.s32 $0x100;
	[sflag:s16] =	ssyncadd.s32 $0xFFFFC000  }
0x4c: {  	[tilespmem:s15], [sflag:$0x1] =	stream.indirect.gather [hbm4b:s4+s18], $0x80, s28, s18, $0xb8;
	[tilespmem:$0x1E000] =	vst v63  }
0x4d: {  	_ =	swait.ge [sflag:s21], $0x4000  }
0x4e: {  	[sflag:s21] =	ssyncset.done $0x0  }
0x4f: {  	s28 =	simm.s32 $0x1080;
	[sflag:s21] =	ssyncadd.s32 $0xFFFFC000  }
0x50: {  	[spmem:s1] =	stream.indirect.scatter.add.f32 [tilespmem:s19], [sflag:$0x3], $0x80, s28, s18, $0xb8;
	[tilespmem:$0x1E000] =	vst v63  }
0x51: {  	_ =	swait.ge [sflag:s16], $0x4000  }
0x52: {  	s29 =	simm.s32 $0x800;
	s28 =	simm.s32 $0x100;
	[sflag:s16] =	ssyncset.done $0x0  }
.LBB2_5:
0x53: {  	s30 =	sadd.s32 $0x80, s28  }
0x54: {  	[sflag:s16] =	ssyncadd.s32 $0xFFFFC000;
	s31 =	smov.u32 s29;
	s0 =	sadd.s32 $0x400, s29  }
0x55: {  	[tilespmem:s19], [sflag:$0x2] =	stream.indirect.gather [hbm4b:s4+s18], $0x80, s30, s18, $0xb8;
	[tilespmem:$0x1E000] =	vst v63  }
0x56: {  	p1 =	sne.s32 s29, $0x3800;
	_ =	swait.ge [sflag:s20], $0x4000  }
0x57: {  	[sflag:s20] =	ssyncset.done $0x0  }
0x58: {  	s29 =	sadd.s32 $0x1000, s28;
	[sflag:s20] =	ssyncadd.s32 $0xFFFFC000  }
0x59: {  	[spmem:s1] =	stream.indirect.scatter.add.f32 [tilespmem:s15], [sflag:$0x3], $0x80, s29, s18, $0xb8;
	[tilespmem:$0x1E000] =	vst v63  }
0x5a: {  	_ =	swait.ge [sflag:s16], $0x4000  }
0x5b: {  	[sflag:s16] =	ssyncset.done $0x0  }
0x5c: {  	s29 =	sadd.s32 $0x100, s28;
	[sflag:s16] =	ssyncadd.s32 $0xFFFFC000  }
0x5d: {  	[tilespmem:s15], [sflag:$0x1] =	stream.indirect.gather [hbm4b:s4+s18], $0x80, s29, s18, $0xb8;
	[tilespmem:$0x1E000] =	vst v63  }
0x5e: {  	_ =	swait.ge [sflag:s21], $0x4000  }
.Ltmp1:
0x5f: {  	[sflag:s21] =	ssyncset.done $0x0;
	(pc) =	sbr.rel @p1 .LBB2_5-.Ltmp1, $4  }
0x60: {  	s28 =	sadd.s32 $0x1080, s28;
	[sflag:s21] =	ssyncadd.s32 $0xFFFFC000  }
0x61: {  	[spmem:s1] =	stream.indirect.scatter.add.f32 [tilespmem:s19], [sflag:$0x3], $0x80, s28, s18, $0xb8;
	[tilespmem:$0x1E000] =	vst v63  }
0x62: {  	_ =	swait.ge [sflag:s16], $0x4000  }
0x63: {  	s29 =	smov.u32 s0;
	s28 =	sshra.s32 s31, $0x2;
	[sflag:s16] =	ssyncset.done $0x0  }
0x64: {  	s0 =	sadd.s32 $0x80, s28;
	[sflag:s16] =	ssyncadd.s32 $0xFFFFC000  }
0x65: {  	[tilespmem:s19], [sflag:$0x2] =	stream.indirect.gather [hbm4b:s4+s18], $0x80, s0, s18, $0xb8;
	[tilespmem:$0x1E000] =	vst v63  }
0x66: {  	_ =	swait.ge [sflag:s20], $0x4000  }
0x67: {  	[sflag:s20] =	ssyncset.done $0x0  }
0x68: {  	s29 =	sadd.s32 $0x1000, s28;
	[sflag:s20] =	ssyncadd.s32 $0xFFFFC000  }
0x69: {  	[spmem:s1] =	stream.indirect.scatter.add.f32 [tilespmem:s15], [sflag:$0x3], $0x80, s29, s18, $0xb8;
	[tilespmem:$0x1E000] =	vst v63  }
0x6a: {  	_ =	swait.ge [sflag:s16], $0x4000  }
0x6b: {  	[sflag:s16] =	ssyncset.done $0x0  }
0x6c: {  	s30 =	sadd.s32 $0x100, s28;
	[sflag:s16] =	ssyncadd.s32 $0xFFFFC000  }
0x6d: {  	[tilespmem:s15], [sflag:$0x1] =	stream.indirect.gather [hbm4b:s4+s18], $0x80, s30, s18, $0xb8;
	[tilespmem:$0x1E000] =	vst v63  }
0x6e: {  	_ =	swait.ge [sflag:s21], $0x4000  }
0x6f: {  	[sflag:s21] =	ssyncset.done $0x0  }
0x70: {  	s31 =	sadd.s32 $0x1080, s28;
	[sflag:s21] =	ssyncadd.s32 $0xFFFFC000  }
0x71: {  	[spmem:s1] =	stream.indirect.scatter.add.f32 [tilespmem:s19], [sflag:$0x3], $0x80, s31, s18, $0xb8;
	[tilespmem:$0x1E000] =	vst v63  }
0x72: {  	_ =	swait.ge [sflag:s16], $0x4000  }
0x73: {  	[sflag:s16] =	ssyncset.done $0x0  }
0x74: {  	[sflag:s16] =	ssyncadd.s32 $0xFFFFC000  }
0x75: {  	[tilespmem:s19], [sflag:$0x2] =	stream.indirect.gather [hbm4b:s4+s18], $0x80, s22, s18, $0xb8;
	[tilespmem:$0x1E000] =	vst v63  }
0x76: {  	_ =	swait.ge [sflag:s20], $0x4000  }
0x77: {  	[sflag:s20] =	ssyncset.done $0x0  }
0x78: {  	[sflag:s20] =	ssyncadd.s32 $0xFFFFC000  }
0x79: {  	[spmem:s1] =	stream.indirect.scatter.add.f32 [tilespmem:s15], [sflag:$0x3], $0x80, s23, s18, $0xb8;
	[tilespmem:$0x1E000] =	vst v63  }
0x7a: {  	_ =	swait.ge [sflag:s16], $0x4000  }
0x7b: {  	[sflag:s16] =	ssyncset.done $0x0  }
0x7c: {  	p1 =	slt.u32 s26, $0x3;
	[sflag:s16] =	ssyncadd.s32 $0xFFFFC000  }
0x7d: {  	p1 =	por !p0, !p1;
	_ =	swait.ge [sflag:s21], $0x4000  }
0x7e: {  	p1 =	por !p1, !p1;
	[sflag:s21] =	ssyncset.done $0x0  }
.Ltmp2:
0x7f: {  	[sflag:s21] =	ssyncadd.s32 $0xFFFFC000;
	(pc) =	sbr.rel @p1 .LBB2_4-.Ltmp2, $4  }
0x80: {  	[spmem:s1] =	stream.indirect.scatter.add.f32 [tilespmem:s19], [sflag:$0x3], $0x80, s24, s18, $0xb8;
	[tilespmem:$0x1E000] =	vst v63  }
0x81: {  	_ =	swait.ge [sflag:s16], $0x4000  }
0x82: {  	[sflag:s16] =	ssyncset.done $0x0  }
0x83: {  	s26 =	sadd.s32 $0x1, s26;
	[sflag:s16] =	ssyncadd.s32 $0xFFFFC000  }
0x84: {  	s3 =	sadd.s32 $0x1, s3  }
0x85: {  	s0 =	sshll.u32 s2, $0x6;
	[bflag:$0x0] =	sbarrier.arrive $0xFFFF;
	p1 =	sne.s32 s3, s14  }
.Ltmp3:
0x86: {  	s25 =	sshrl.u32 s7, $0x3;
	s0 =	sor.u32 $0x1C03, s0;
	(pc) =	sbr.rel @p1 .LBB2_1-.Ltmp3, $4  }
0x87: {  	[hbm:s13], [sflag:s0] =	dma.local [spmem:s25], $0x2800  }
0x88: {  	_ =	swait.ge [sflag:s16], $0x2800  }
0x89: {  	[sflag:s16] =	ssyncset.done $0x0  }
0x8a: {  	[sflag:s16] =	ssyncadd.s32 $0xFFFFD800  }
0x8b: {  	_ =	sfence.sel $0x180000  }
0x8c: {  	[bflag:$0x0] =	sbarrier.arrive $0xFFFF  }
0x8d: {  	_ =	strace $0x90000047  }
0x8e: {  	[bflag:$0x2] =	sbarrier.arrive $0xFFFF  }
0x8f: {  	p0 =	sne.s32 s2, $0x0;
	s0 =	rddreg [dreg:$0x2]  }
0x90: {  	s0 =	sadd.s32 @!p0 $0x100000, s0  }
0x91: {  	[sflag:s0] =	ssyncadd.tile.s32 @!p0 $0x1;
	_ =	shalt  }
.Lfunc_end2:
_tile_overlayer_lowered:
.L_overlay_start_2:
0x92: {  	(tag) =	ssettag $0x2  }
0x93: {  	s0 =	rddreg [dreg:$0x0];
	s2 =	stileid.u32  }
0x94: {  	s1 =	rddreg [dreg:$0x1];
	p0 =	sne.s32 s2, $0x0  }
0x95: {  	s3 =	rddreg [dreg:$0x2];
	[bflag:$0x3] =	sbarrier.arrive $0xFFFF;
	s2 =	simm.s32 @!p0 $0x1C03  }
0x96: {  	[timem:s3], [sflag:s2] =	dma.local @!p0 [hbm:s0], s1  }
0x97: {  	s0 =	simm.s32 @!p0 $0x3  }
0x98: {  	_ =	swait.ge @!p0 [sflag:s0], s1  }
0x99: {  	s1 =	ssub.s32 @!p0 $0x0, s1;
	[sflag:s0] =	ssyncset.done @!p0 $0x0  }
0x9a: {  	[sflag:s0] =	ssyncadd.s32 @!p0 s1  }
0x9b: {  	[bflag:$0x3] =	sbarrier.arrive $0xFFFF  }
0x9c: {  	_ =	shalt  }

</sc_bundles>
